<compile_context>
chip_gen: v7x
topology: tpu7x:2x2x1
jax: 0.10.2.dev20260603
libtpu: 0.0.44.dev20260713+nightly
codegen_flags: <defaults>
</compile_context>

<pallas_src>
import functools

import jax
import jax.numpy as jnp
from jax import lax
from jax.experimental import pallas as pl
from jax.experimental.pallas import tpu as pltpu, tpu_sc as plsc

NUM_SEEDS = 32
BATCH = 16384
IN_FEATURES = 7
NC, NS, L = 2, 16, 16
NW = NC * NS
B_PER_W = BATCH // NW
GROUPS = B_PER_W // L


def _sc_body(
    sdow_hbm, idx_hbm, w_hbm, out_hbm, idx_v, day_v, w_v, out_v,
    sem_i, sem_w, sem_g,
):
    wid = lax.axis_index("s") * NC + lax.axis_index("c")
    base = wid * B_PER_W

    ci = pltpu.async_copy(idx_hbm.at[pl.ds(base, B_PER_W)], idx_v, sem_i)
    cw = pltpu.async_copy(w_hbm, w_v, sem_w)
    ci.wait()
    cg = pltpu.async_copy(sdow_hbm.at[idx_v], day_v, sem_g)
    cw.wait()
    cg.wait()

    @plsc.parallel_loop(0, GROUPS)
    def group(g):
        day_vec = day_v[pl.ds(g * L, L)]
        for s in range(NUM_SEEDS):
            out_v[s, pl.ds(g * L, L)] = plsc.load_gather(w_v.at[s], [day_vec])

    pltpu.sync_copy(out_v, out_hbm.at[:, pl.ds(base, B_PER_W)])


@jax.jit
def kernel(session_day_of_week, session_index, W):
    mesh = plsc.VectorSubcoreMesh(
        core_axis_name="c", subcore_axis_name="s", num_cores=NC, num_subcores=NS
    )
    run = functools.partial(
        pl.kernel,
        out_type=jax.ShapeDtypeStruct((NUM_SEEDS, BATCH), jnp.float32),
        mesh=mesh,
        scratch_types=[
            pltpu.VMEM((B_PER_W,), jnp.int32),
            pltpu.VMEM((B_PER_W,), jnp.int32),
            pltpu.VMEM((NUM_SEEDS, IN_FEATURES), jnp.float32),
            pltpu.VMEM((NUM_SEEDS, B_PER_W), jnp.float32),
            pltpu.SemaphoreType.DMA,
            pltpu.SemaphoreType.DMA,
            pltpu.SemaphoreType.DMA,
        ],
        compiler_params=pltpu.CompilerParams(needs_layout_passes=False),
    )(_sc_body)
    return run(
        session_day_of_week.astype(jnp.int32),
        session_index.astype(jnp.int32),
        W,
    )

# --- scband reference (transcript-rebuilt; emitter-appended) ---
"""Pipeline reference for scband-example-customized-module-13683765805613 (READ-ONLY COPY).

The authoritative reference and input builder live on the scoring server;
editing this copy changes nothing except your own understanding.
"""

import jax, jax.numpy as jnp
import numpy as np

NUM_SEEDS = 32
N_SESSIONS = 100000
BATCH = 16384
IN_FEATURES = 7


def setup_inputs(seed: int = 0) -> dict:
    key = jax.random.key(seed)
    k1, k2, k3 = jax.random.split(key, 3)
    session_day_of_week = jax.random.randint(k1, (N_SESSIONS,), 0, IN_FEATURES)
    session_index = jax.random.randint(k2, (BATCH,), 0, N_SESSIONS)
    # rsample(num_seeds) materializes num_seeds draws of the BayesianLinear weight
    # (out_features=1 squeezed): shape [num_seeds, in_features]
    W = jax.random.normal(k3, (NUM_SEEDS, IN_FEATURES), dtype=jnp.float32)
    return {"session_day_of_week": session_day_of_week,
            "session_index": session_index,
            "W": W}


def reference(session_day_of_week, session_index, W):
    # day_of_week = batch.session_day_of_week[batch.session_index]
    day = jnp.take(session_day_of_week, session_index, axis=0)  # [B]
    # layer(day_of_week, mode='lookup'): gather weight columns per index,
    # one value per (seed, example) since out_features == 1
    utility = jnp.take(W, day, axis=1)  # [num_seeds, B]
    # .view(num_seeds, len(batch))
    return utility.reshape(NUM_SEEDS, BATCH)

if __name__ == "__main__":
    import jax
    _d = setup_inputs()
    print(jax.jit(kernel)(*tuple(_d.values())))

</pallas_src>

<mosaic_0001>
#map = affine_map<(d0, d1) -> (0)>
#map1 = affine_map<(d0, d1) -> (0, 0)>
module attributes {stable_mosaic.version = 14 : i64} {
  func.func @_sc_body(%arg0: i32, %arg1: i32, %arg2: memref<100000xi32, #tpu.memory_space<hbm>>, %arg3: memref<16384xi32, #tpu.memory_space<hbm>>, %arg4: memref<32x7xf32, #tpu.memory_space<hbm>>, %arg5: memref<32x16384xf32, #tpu.memory_space<hbm>>, %arg6: memref<512xi32, #tpu.memory_space<vmem>>, %arg7: memref<512xi32, #tpu.memory_space<vmem>>, %arg8: memref<32x7xf32, #tpu.memory_space<vmem>>, %arg9: memref<32x512xf32, #tpu.memory_space<vmem>>, %arg10: memref<!tpu.dma_semaphore, #tpu.memory_space<semaphore_mem>>, %arg11: memref<!tpu.dma_semaphore, #tpu.memory_space<semaphore_mem>>, %arg12: memref<!tpu.dma_semaphore, #tpu.memory_space<semaphore_mem>>) attributes {dimension_semantics = [#tpu.dimension_semantics<core_parallel>, #tpu.dimension_semantics<subcore_parallel>], iteration_bounds = array<i64: 2, 16>, scalar_prefetch = 0 : i64, scratch_operands = 7 : i64, tpu.core_type = #tpu.core_type<sc_vector_subcore>, window_params = [{transform_indices = #map}, {transform_indices = #map}, {transform_indices = #map1}, {transform_indices = #map1}]} {
    %mul3A = arith.constant 2 : i32
    %mul3A_0 = arith.muli %arg1, %mul3A : i32
    %add3A = arith.addi %mul3A_0, %arg0 : i32
    %mul3A_1 = arith.constant 512 : i32
    %mul3A_2 = arith.muli %add3A, %mul3A_1 : i32
    %dma_start3A = tpu.memref_slice %arg3[%mul3A_2] : memref<16384xi32, #tpu.memory_space<hbm>> -> memref<512xi32, #tpu.memory_space<hbm>>
    %dma_start3A_3 = tpu.memref_slice %arg3[%mul3A_2] : memref<16384xi32, #tpu.memory_space<hbm>> -> memref<512xi32, #tpu.memory_space<hbm>>
    tpu.enqueue_dma source(%dma_start3A_3 : memref<512xi32, #tpu.memory_space<hbm>>) target(%arg6 : memref<512xi32, #tpu.memory_space<vmem>>) target_semaphore(%arg10 : memref<!tpu.dma_semaphore, #tpu.memory_space<semaphore_mem>>)
    tpu.enqueue_dma source(%arg4 : memref<32x7xf32, #tpu.memory_space<hbm>>) target(%arg8 : memref<32x7xf32, #tpu.memory_space<vmem>>) target_semaphore(%arg11 : memref<!tpu.dma_semaphore, #tpu.memory_space<semaphore_mem>>)
    %dma_wait3A = tpu.memref_slice %arg3[%mul3A_2] : memref<16384xi32, #tpu.memory_space<hbm>> -> memref<512xi32, #tpu.memory_space<hbm>>
    %dma_wait3A_4 = tpu.memref_slice %arg3[%mul3A_2] : memref<16384xi32, #tpu.memory_space<hbm>> -> memref<512xi32, #tpu.memory_space<hbm>>
    tpu.wait_dma2 semaphore(%arg10 : memref<!tpu.dma_semaphore, #tpu.memory_space<semaphore_mem>>) src(%dma_wait3A_4 : memref<512xi32, #tpu.memory_space<hbm>>) dst(%arg6 : memref<512xi32, #tpu.memory_space<vmem>>)
    %dma_start3A_5 = arith.constant 0 : i32
    %dma_start3A_6 = tpu.memref_slice %arg2[%dma_start3A_5] : memref<100000xi32, #tpu.memory_space<hbm>> -> memref<100000xi32, #tpu.memory_space<hbm>>
    tpu.enqueue_indirect_dma source(%dma_start3A_6 : memref<100000xi32, #tpu.memory_space<hbm>>) target(%arg7 : memref<512xi32, #tpu.memory_space<vmem>>) offsets(%arg6 : memref<512xi32, #tpu.memory_space<vmem>>) semaphore(%arg12 : memref<!tpu.dma_semaphore, #tpu.memory_space<semaphore_mem>>)
    tpu.wait_dma2 semaphore(%arg11 : memref<!tpu.dma_semaphore, #tpu.memory_space<semaphore_mem>>) src(%arg4 : memref<32x7xf32, #tpu.memory_space<hbm>>) dst(%arg8 : memref<32x7xf32, #tpu.memory_space<vmem>>)
    %dma_wait3A_7 = arith.constant 0 : i32
    %dma_wait3A_8 = tpu.memref_slice %arg2[%dma_wait3A_7] : memref<100000xi32, #tpu.memory_space<hbm>> -> memref<100000xi32, #tpu.memory_space<hbm>>
    tpu.wait_indirect_dma semaphore(%arg12 : memref<!tpu.dma_semaphore, #tpu.memory_space<semaphore_mem>>) src(%dma_wait3A_8 : memref<100000xi32, #tpu.memory_space<hbm>>) dst(%arg7 : memref<512xi32, #tpu.memory_space<vmem>>)
    %parallel_loop3A = arith.constant 0 : i32
    %parallel_loop3A_9 = arith.constant 32 : i32
    %parallel_loop3A_10 = arith.constant 1 : i32
    scf.for %parallel_loop3A_11 = %parallel_loop3A to %parallel_loop3A_9 step %parallel_loop3A_10  : i32 {
      %parallel_loop3A_12 = arith.constant 16 : i32
      %parallel_loop3A_13 = arith.muli %parallel_loop3A_11, %parallel_loop3A_12 : i32
      %parallel_loop3A_14 = arith.index_cast %parallel_loop3A_13 : i32 to index
      %parallel_loop3A_15 = tpu.vector_load %arg7[%parallel_loop3A_14] {strides = array<i32>} : memref<512xi32, #tpu.memory_space<vmem>>, vector<16xi32>,
      %parallel_loop3A_16 = arith.constant 0 : i32
      %parallel_loop3A_17 = arith.constant 0 : i32
      %parallel_loop3A_18 = tpu.memref_slice %arg8[%parallel_loop3A_16, %parallel_loop3A_17] : memref<32x7xf32, #tpu.memory_space<vmem>> -> memref<1x7xf32, #tpu.memory_space<vmem>>
      %parallel_loop3A_19 = tpu.memref_squeeze %parallel_loop3A_18 : memref<1x7xf32, #tpu.memory_space<vmem>> -> memref<7xf32, #tpu.memory_space<vmem>>
      %parallel_loop3A_20 = tpu.vector_load_idx %parallel_loop3A_19[%parallel_loop3A_15] : memref<7xf32, #tpu.memory_space<vmem>>[vector<16xi32>], vector<16xf32>,
      %parallel_loop3A_21 = arith.constant 16 : i32
      %parallel_loop3A_22 = arith.muli %parallel_loop3A_11, %parallel_loop3A_21 : i32
      %parallel_loop3A_23 = arith.constant 0 : i32
      %parallel_loop3A_24 = arith.index_cast %parallel_loop3A_23 : i32 to index
      %parallel_loop3A_25 = arith.index_cast %parallel_loop3A_22 : i32 to index
      %parallel_loop3A_26 = tpu.vector_load %arg9[%parallel_loop3A_24, %parallel_loop3A_25] {strides = array<i32>} : memref<32x512xf32, #tpu.memory_space<vmem>>, vector<16xf32>,
      tpu.vector_store %arg9[%parallel_loop3A_24, %parallel_loop3A_25], %parallel_loop3A_20 {strides = array<i32>} : memref<32x512xf32, #tpu.memory_space<vmem>>, vector<16xf32>,
      %parallel_loop3A_27 = arith.constant 1 : i32
      %parallel_loop3A_28 = arith.constant 0 : i32
      %parallel_loop3A_29 = tpu.memref_slice %arg8[%parallel_loop3A_27, %parallel_loop3A_28] : memref<32x7xf32, #tpu.memory_space<vmem>> -> memref<1x7xf32, #tpu.memory_space<vmem>>
      %parallel_loop3A_30 = tpu.memref_squeeze %parallel_loop3A_29 : memref<1x7xf32, #tpu.memory_space<vmem>> -> memref<7xf32, #tpu.memory_space<vmem>>
      %parallel_loop3A_31 = tpu.vector_load_idx %parallel_loop3A_30[%parallel_loop3A_15] : memref<7xf32, #tpu.memory_space<vmem>>[vector<16xi32>], vector<16xf32>,
      %parallel_loop3A_32 = arith.constant 16 : i32
      %parallel_loop3A_33 = arith.muli %parallel_loop3A_11, %parallel_loop3A_32 : i32
      %parallel_loop3A_34 = arith.constant 1 : i32
      %parallel_loop3A_35 = arith.index_cast %parallel_loop3A_34 : i32 to index
      %parallel_loop3A_36 = arith.index_cast %parallel_loop3A_33 : i32 to index
      %parallel_loop3A_37 = tpu.vector_load %arg9[%parallel_loop3A_35, %parallel_loop3A_36] {strides = array<i32>} : memref<32x512xf32, #tpu.memory_space<vmem>>, vector<16xf32>,
      tpu.vector_store %arg9[%parallel_loop3A_35, %parallel_loop3A_36], %parallel_loop3A_31 {strides = array<i32>} : memref<32x512xf32, #tpu.memory_space<vmem>>, vector<16xf32>,
      %parallel_loop3A_38 = arith.constant 2 : i32
      %parallel_loop3A_39 = arith.constant 0 : i32
      %parallel_loop3A_40 = tpu.memref_slice %arg8[%parallel_loop3A_38, %parallel_loop3A_39] : memref<32x7xf32, #tpu.memory_space<vmem>> -> memref<1x7xf32, #tpu.memory_space<vmem>>
      %parallel_loop3A_41 = tpu.memref_squeeze %parallel_loop3A_40 : memref<1x7xf32, #tpu.memory_space<vmem>> -> memref<7xf32, #tpu.memory_space<vmem>>
      %parallel_loop3A_42 = tpu.vector_load_idx %parallel_loop3A_41[%parallel_loop3A_15] : memref<7xf32, #tpu.memory_space<vmem>>[vector<16xi32>], vector<16xf32>,
      %parallel_loop3A_43 = arith.constant 16 : i32
      %parallel_loop3A_44 = arith.muli %parallel_loop3A_11, %parallel_loop3A_43 : i32
      %parallel_loop3A_45 = arith.constant 2 : i32
      %parallel_loop3A_46 = arith.index_cast %parallel_loop3A_45 : i32 to index
      %parallel_loop3A_47 = arith.index_cast %parallel_loop3A_44 : i32 to index
      %parallel_loop3A_48 = tpu.vector_load %arg9[%parallel_loop3A_46, %parallel_loop3A_47] {strides = array<i32>} : memref<32x512xf32, #tpu.memory_space<vmem>>, vector<16xf32>,
      tpu.vector_store %arg9[%parallel_loop3A_46, %parallel_loop3A_47], %parallel_loop3A_42 {strides = array<i32>} : memref<32x512xf32, #tpu.memory_space<vmem>>, vector<16xf32>,
      %parallel_loop3A_49 = arith.constant 3 : i32
      %parallel_loop3A_50 = arith.constant 0 : i32
      %parallel_loop3A_51 = tpu.memref_slice %arg8[%parallel_loop3A_49, %parallel_loop3A_50] : memref<32x7xf32, #tpu.memory_space<vmem>> -> memref<1x7xf32, #tpu.memory_space<vmem>>
      %parallel_loop3A_52 = tpu.memref_squeeze %parallel_loop3A_51 : memref<1x7xf32, #tpu.memory_space<vmem>> -> memref<7xf32, #tpu.memory_space<vmem>>
      %parallel_loop3A_53 = tpu.vector_load_idx %parallel_loop3A_52[%parallel_loop3A_15] : memref<7xf32, #tpu.memory_space<vmem>>[vector<16xi32>], vector<16xf32>,
      %parallel_loop3A_54 = arith.constant 16 : i32
      %parallel_loop3A_55 = arith.muli %parallel_loop3A_11, %parallel_loop3A_54 : i32
      %parallel_loop3A_56 = arith.constant 3 : i32
      %parallel_loop3A_57 = arith.index_cast %parallel_loop3A_56 : i32 to index
      %parallel_loop3A_58 = arith.index_cast %parallel_loop3A_55 : i32 to index
      %parallel_loop3A_59 = tpu.vector_load %arg9[%parallel_loop3A_57, %parallel_loop3A_58] {strides = array<i32>} : memref<32x512xf32, #tpu.memory_space<vmem>>, vector<16xf32>,
      tpu.vector_store %arg9[%parallel_loop3A_57, %parallel_loop3A_58], %parallel_loop3A_53 {strides = array<i32>} : memref<32x512xf32, #tpu.memory_space<vmem>>, vector<16xf32>,
      %parallel_loop3A_60 = arith.constant 4 : i32
      %parallel_loop3A_61 = arith.constant 0 : i32
      %parallel_loop3A_62 = tpu.memref_slice %arg8[%parallel_loop3A_60, %parallel_loop3A_61] : memref<32x7xf32, #tpu.memory_space<vmem>> -> memref<1x7xf32, #tpu.memory_space<vmem>>
      %parallel_loop3A_63 = tpu.memref_squeeze %parallel_loop3A_62 : memref<1x7xf32, #tpu.memory_space<vmem>> -> memref<7xf32, #tpu.memory_space<vmem>>
      %parallel_loop3A_64 = tpu.vector_load_idx %parallel_loop3A_63[%parallel_loop3A_15] : memref<7xf32, #tpu.memory_space<vmem>>[vector<16xi32>], vector<16xf32>,
      %parallel_loop3A_65 = arith.constant 16 : i32
      %parallel_loop3A_66 = arith.muli %parallel_loop3A_11, %parallel_loop3A_65 : i32
      %parallel_loop3A_67 = arith.constant 4 : i32
      %parallel_loop3A_68 = arith.index_cast %parallel_loop3A_67 : i32 to index
      %parallel_loop3A_69 = arith.index_cast %parallel_loop3A_66 : i32 to index
      %parallel_loop3A_70 = tpu.vector_load %arg9[%parallel_loop3A_68, %parallel_loop3A_69] {strides = array<i32>} : memref<32x512xf32, #tpu.memory_space<vmem>>, vector<16xf32>,
      tpu.vector_store %arg9[%parallel_loop3A_68, %parallel_loop3A_69], %parallel_loop3A_64 {strides = array<i32>} : memref<32x512xf32, #tpu.memory_space<vmem>>, vector<16xf32>,
      %parallel_loop3A_71 = arith.constant 5 : i32
      %parallel_loop3A_72 = arith.constant 0 : i32
      %parallel_loop3A_73 = tpu.memref_slice %arg8[%parallel_loop3A_71, %parallel_loop3A_72] : memref<32x7xf32, #tpu.memory_space<vmem>> -> memref<1x7xf32, #tpu.memory_space<vmem>>
      %parallel_loop3A_74 = tpu.memref_squeeze %parallel_loop3A_73 : memref<1x7xf32, #tpu.memory_space<vmem>> -> memref<7xf32, #tpu.memory_space<vmem>>
      %parallel_loop3A_75 = tpu.vector_load_idx %parallel_loop3A_74[%parallel_loop3A_15] : memref<7xf32, #tpu.memory_space<vmem>>[vector<16xi32>], vector<16xf32>,
      %parallel_loop3A_76 = arith.constant 16 : i32
      %parallel_loop3A_77 = arith.muli %parallel_loop3A_11, %parallel_loop3A_76 : i32
      %parallel_loop3A_78 = arith.constant 5 : i32
      %parallel_loop3A_79 = arith.index_cast %parallel_loop3A_78 : i32 to index
      %parallel_loop3A_80 = arith.index_cast %parallel_loop3A_77 : i32 to index
      %parallel_loop3A_81 = tpu.vector_load %arg9[%parallel_loop3A_79, %parallel_loop3A_80] {strides = array<i32>} : memref<32x512xf32, #tpu.memory_space<vmem>>, vector<16xf32>,
      tpu.vector_store %arg9[%parallel_loop3A_79, %parallel_loop3A_80], %parallel_loop3A_75 {strides = array<i32>} : memref<32x512xf32, #tpu.memory_space<vmem>>, vector<16xf32>,
      %parallel_loop3A_82 = arith.constant 6 : i32
      %parallel_loop3A_83 = arith.constant 0 : i32
      %parallel_loop3A_84 = tpu.memref_slice %arg8[%parallel_loop3A_82, %parallel_loop3A_83] : memref<32x7xf32, #tpu.memory_space<vmem>> -> memref<1x7xf32, #tpu.memory_space<vmem>>
      %parallel_loop3A_85 = tpu.memref_squeeze %parallel_loop3A_84 : memref<1x7xf32, #tpu.memory_space<vmem>> -> memref<7xf32, #tpu.memory_space<vmem>>
      %parallel_loop3A_86 = tpu.vector_load_idx %parallel_loop3A_85[%parallel_loop3A_15] : memref<7xf32, #tpu.memory_space<vmem>>[vector<16xi32>], vector<16xf32>,
      %parallel_loop3A_87 = arith.constant 16 : i32
      %parallel_loop3A_88 = arith.muli %parallel_loop3A_11, %parallel_loop3A_87 : i32
      %parallel_loop3A_89 = arith.constant 6 : i32
      %parallel_loop3A_90 = arith.index_cast %parallel_loop3A_89 : i32 to index
      %parallel_loop3A_91 = arith.index_cast %parallel_loop3A_88 : i32 to index
      %parallel_loop3A_92 = tpu.vector_load %arg9[%parallel_loop3A_90, %parallel_loop3A_91] {strides = array<i32>} : memref<32x512xf32, #tpu.memory_space<vmem>>, vector<16xf32>,
      tpu.vector_store %arg9[%parallel_loop3A_90, %parallel_loop3A_91], %parallel_loop3A_86 {strides = array<i32>} : memref<32x512xf32, #tpu.memory_space<vmem>>, vector<16xf32>,
      %parallel_loop3A_93 = arith.constant 7 : i32
      %parallel_loop3A_94 = arith.constant 0 : i32
      %parallel_loop3A_95 = tpu.memref_slice %arg8[%parallel_loop3A_93, %parallel_loop3A_94] : memref<32x7xf32, #tpu.memory_space<vmem>> -> memref<1x7xf32, #tpu.memory_space<vmem>>
      %parallel_loop3A_96 = tpu.memref_squeeze %parallel_loop3A_95 : memref<1x7xf32, #tpu.memory_space<vmem>> -> memref<7xf32, #tpu.memory_space<vmem>>
      %parallel_loop3A_97 = tpu.vector_load_idx %parallel_loop3A_96[%parallel_loop3A_15] : memref<7xf32, #tpu.memory_space<vmem>>[vector<16xi32>], vector<16xf32>,
      %parallel_loop3A_98 = arith.constant 16 : i32
      %parallel_loop3A_99 = arith.muli %parallel_loop3A_11, %parallel_loop3A_98 : i32
      %parallel_loop3A_100 = arith.constant 7 : i32
      %parallel_loop3A_101 = arith.index_cast %parallel_loop3A_100 : i32 to index
      %parallel_loop3A_102 = arith.index_cast %parallel_loop3A_99 : i32 to index
      %parallel_loop3A_103 = tpu.vector_load %arg9[%parallel_loop3A_101, %parallel_loop3A_102] {strides = array<i32>} : memref<32x512xf32, #tpu.memory_space<vmem>>, vector<16xf32>,
      tpu.vector_store %arg9[%parallel_loop3A_101, %parallel_loop3A_102], %parallel_loop3A_97 {strides = array<i32>} : memref<32x512xf32, #tpu.memory_space<vmem>>, vector<16xf32>,
      %parallel_loop3A_104 = arith.constant 8 : i32
      %parallel_loop3A_105 = arith.constant 0 : i32
      %parallel_loop3A_106 = tpu.memref_slice %arg8[%parallel_loop3A_104, %parallel_loop3A_105] : memref<32x7xf32, #tpu.memory_space<vmem>> -> memref<1x7xf32, #tpu.memory_space<vmem>>
      %parallel_loop3A_107 = tpu.memref_squeeze %parallel_loop3A_106 : memref<1x7xf32, #tpu.memory_space<vmem>> -> memref<7xf32, #tpu.memory_space<vmem>>
      %parallel_loop3A_108 = tpu.vector_load_idx %parallel_loop3A_107[%parallel_loop3A_15] : memref<7xf32, #tpu.memory_space<vmem>>[vector<16xi32>], vector<16xf32>,
      %parallel_loop3A_109 = arith.constant 16 : i32
      %parallel_loop3A_110 = arith.muli %parallel_loop3A_11, %parallel_loop3A_109 : i32
      %parallel_loop3A_111 = arith.constant 8 : i32
      %parallel_loop3A_112 = arith.index_cast %parallel_loop3A_111 : i32 to index
      %parallel_loop3A_113 = arith.index_cast %parallel_loop3A_110 : i32 to index
      %parallel_loop3A_114 = tpu.vector_load %arg9[%parallel_loop3A_112, %parallel_loop3A_113] {strides = array<i32>} : memref<32x512xf32, #tpu.memory_space<vmem>>, vector<16xf32>,
      tpu.vector_store %arg9[%parallel_loop3A_112, %parallel_loop3A_113], %parallel_loop3A_108 {strides = array<i32>} : memref<32x512xf32, #tpu.memory_space<vmem>>, vector<16xf32>,
      %parallel_loop3A_115 = arith.constant 9 : i32
      %parallel_loop3A_116 = arith.constant 0 : i32
      %parallel_loop3A_117 = tpu.memref_slice %arg8[%parallel_loop3A_115, %parallel_loop3A_116] : memref<32x7xf32, #tpu.memory_space<vmem>> -> memref<1x7xf32, #tpu.memory_space<vmem>>
      %parallel_loop3A_118 = tpu.memref_squeeze %parallel_loop3A_117 : memref<1x7xf32, #tpu.memory_space<vmem>> -> memref<7xf32, #tpu.memory_space<vmem>>
      %parallel_loop3A_119 = tpu.vector_load_idx %parallel_loop3A_118[%parallel_loop3A_15] : memref<7xf32, #tpu.memory_space<vmem>>[vector<16xi32>], vector<16xf32>,
      %parallel_loop3A_120 = arith.constant 16 : i32
      %parallel_loop3A_121 = arith.muli %parallel_loop3A_11, %parallel_loop3A_120 : i32
      %parallel_loop3A_122 = arith.constant 9 : i32
      %parallel_loop3A_123 = arith.index_cast %parallel_loop3A_122 : i32 to index
      %parallel_loop3A_124 = arith.index_cast %parallel_loop3A_121 : i32 to index
      %parallel_loop3A_125 = tpu.vector_load %arg9[%parallel_loop3A_123, %parallel_loop3A_124] {strides = array<i32>} : memref<32x512xf32, #tpu.memory_space<vmem>>, vector<16xf32>,
      tpu.vector_store %arg9[%parallel_loop3A_123, %parallel_loop3A_124], %parallel_loop3A_119 {strides = array<i32>} : memref<32x512xf32, #tpu.memory_space<vmem>>, vector<16xf32>,
      %parallel_loop3A_126 = arith.constant 10 : i32
      %parallel_loop3A_127 = arith.constant 0 : i32
      %parallel_loop3A_128 = tpu.memref_slice %arg8[%parallel_loop3A_126, %parallel_loop3A_127] : memref<32x7xf32, #tpu.memory_space<vmem>> -> memref<1x7xf32, #tpu.memory_space<vmem>>
      %parallel_loop3A_129 = tpu.memref_squeeze %parallel_loop3A_128 : memref<1x7xf32, #tpu.memory_space<vmem>> -> memref<7xf32, #tpu.memory_space<vmem>>
      %parallel_loop3A_130 = tpu.vector_load_idx %parallel_loop3A_129[%parallel_loop3A_15] : memref<7xf32, #tpu.memory_space<vmem>>[vector<16xi32>], vector<16xf32>,
      %parallel_loop3A_131 = arith.constant 16 : i32
      %parallel_loop3A_132 = arith.muli %parallel_loop3A_11, %parallel_loop3A_131 : i32
      %parallel_loop3A_133 = arith.constant 10 : i32
      %parallel_loop3A_134 = arith.index_cast %parallel_loop3A_133 : i32 to index
      %parallel_loop3A_135 = arith.index_cast %parallel_loop3A_132 : i32 to index
      %parallel_loop3A_136 = tpu.vector_load %arg9[%parallel_loop3A_134, %parallel_loop3A_135] {strides = array<i32>} : memref<32x512xf32, #tpu.memory_space<vmem>>, vector<16xf32>,
      tpu.vector_store %arg9[%parallel_loop3A_134, %parallel_loop3A_135], %parallel_loop3A_130 {strides = array<i32>} : memref<32x512xf32, #tpu.memory_space<vmem>>, vector<16xf32>,
      %parallel_loop3A_137 = arith.constant 11 : i32
      %parallel_loop3A_138 = arith.constant 0 : i32
      %parallel_loop3A_139 = tpu.memref_slice %arg8[%parallel_loop3A_137, %parallel_loop3A_138] : memref<32x7xf32, #tpu.memory_space<vmem>> -> memref<1x7xf32, #tpu.memory_space<vmem>>
      %parallel_loop3A_140 = tpu.memref_squeeze %parallel_loop3A_139 : memref<1x7xf32, #tpu.memory_space<vmem>> -> memref<7xf32, #tpu.memory_space<vmem>>
      %parallel_loop3A_141 = tpu.vector_load_idx %parallel_loop3A_140[%parallel_loop3A_15] : memref<7xf32, #tpu.memory_space<vmem>>[vector<16xi32>], vector<16xf32>,
      %parallel_loop3A_142 = arith.constant 16 : i32
      %parallel_loop3A_143 = arith.muli %parallel_loop3A_11, %parallel_loop3A_142 : i32
      %parallel_loop3A_144 = arith.constant 11 : i32
      %parallel_loop3A_145 = arith.index_cast %parallel_loop3A_144 : i32 to index
      %parallel_loop3A_146 = arith.index_cast %parallel_loop3A_143 : i32 to index
      %parallel_loop3A_147 = tpu.vector_load %arg9[%parallel_loop3A_145, %parallel_loop3A_146] {strides = array<i32>} : memref<32x512xf32, #tpu.memory_space<vmem>>, vector<16xf32>,
      tpu.vector_store %arg9[%parallel_loop3A_145, %parallel_loop3A_146], %parallel_loop3A_141 {strides = array<i32>} : memref<32x512xf32, #tpu.memory_space<vmem>>, vector<16xf32>,
      %parallel_loop3A_148 = arith.constant 12 : i32
      %parallel_loop3A_149 = arith.constant 0 : i32
      %parallel_loop3A_150 = tpu.memref_slice %arg8[%parallel_loop3A_148, %parallel_loop3A_149] : memref<32x7xf32, #tpu.memory_space<vmem>> -> memref<1x7xf32, #tpu.memory_space<vmem>>
      %parallel_loop3A_151 = tpu.memref_squeeze %parallel_loop3A_150 : memref<1x7xf32, #tpu.memory_space<vmem>> -> memref<7xf32, #tpu.memory_space<vmem>>
      %parallel_loop3A_152 = tpu.vector_load_idx %parallel_loop3A_151[%parallel_loop3A_15] : memref<7xf32, #tpu.memory_space<vmem>>[vector<16xi32>], vector<16xf32>,
      %parallel_loop3A_153 = arith.constant 16 : i32
      %parallel_loop3A_154 = arith.muli %parallel_loop3A_11, %parallel_loop3A_153 : i32
      %parallel_loop3A_155 = arith.constant 12 : i32
      %parallel_loop3A_156 = arith.index_cast %parallel_loop3A_155 : i32 to index
      %parallel_loop3A_157 = arith.index_cast %parallel_loop3A_154 : i32 to index
      %parallel_loop3A_158 = tpu.vector_load %arg9[%parallel_loop3A_156, %parallel_loop3A_157] {strides = array<i32>} : memref<32x512xf32, #tpu.memory_space<vmem>>, vector<16xf32>,
      tpu.vector_store %arg9[%parallel_loop3A_156, %parallel_loop3A_157], %parallel_loop3A_152 {strides = array<i32>} : memref<32x512xf32, #tpu.memory_space<vmem>>, vector<16xf32>,
      %parallel_loop3A_159 = arith.constant 13 : i32
      %parallel_loop3A_160 = arith.constant 0 : i32
      %parallel_loop3A_161 = tpu.memref_slice %arg8[%parallel_loop3A_159, %parallel_loop3A_160] : memref<32x7xf32, #tpu.memory_space<vmem>> -> memref<1x7xf32, #tpu.memory_space<vmem>>
      %parallel_loop3A_162 = tpu.memref_squeeze %parallel_loop3A_161 : memref<1x7xf32, #tpu.memory_space<vmem>> -> memref<7xf32, #tpu.memory_space<vmem>>
      %parallel_loop3A_163 = tpu.vector_load_idx %parallel_loop3A_162[%parallel_loop3A_15] : memref<7xf32, #tpu.memory_space<vmem>>[vector<16xi32>], vector<16xf32>,
      %parallel_loop3A_164 = arith.constant 16 : i32
      %parallel_loop3A_165 = arith.muli %parallel_loop3A_11, %parallel_loop3A_164 : i32
      %parallel_loop3A_166 = arith.constant 13 : i32
      %parallel_loop3A_167 = arith.index_cast %parallel_loop3A_166 : i32 to index
      %parallel_loop3A_168 = arith.index_cast %parallel_loop3A_165 : i32 to index
      %parallel_loop3A_169 = tpu.vector_load %arg9[%parallel_loop3A_167, %parallel_loop3A_168] {strides = array<i32>} : memref<32x512xf32, #tpu.memory_space<vmem>>, vector<16xf32>,
      tpu.vector_store %arg9[%parallel_loop3A_167, %parallel_loop3A_168], %parallel_loop3A_163 {strides = array<i32>} : memref<32x512xf32, #tpu.memory_space<vmem>>, vector<16xf32>,
      %parallel_loop3A_170 = arith.constant 14 : i32
      %parallel_loop3A_171 = arith.constant 0 : i32
      %parallel_loop3A_172 = tpu.memref_slice %arg8[%parallel_loop3A_170, %parallel_loop3A_171] : memref<32x7xf32, #tpu.memory_space<vmem>> -> memref<1x7xf32, #tpu.memory_space<vmem>>
      %parallel_loop3A_173 = tpu.memref_squeeze %parallel_loop3A_172 : memref<1x7xf32, #tpu.memory_space<vmem>> -> memref<7xf32, #tpu.memory_space<vmem>>
      %parallel_loop3A_174 = tpu.vector_load_idx %parallel_loop3A_173[%parallel_loop3A_15] : memref<7xf32, #tpu.memory_space<vmem>>[vector<16xi32>], vector<16xf32>,
      %parallel_loop3A_175 = arith.constant 16 : i32
      %parallel_loop3A_176 = arith.muli %parallel_loop3A_11, %parallel_loop3A_175 : i32
      %parallel_loop3A_177 = arith.constant 14 : i32
      %parallel_loop3A_178 = arith.index_cast %parallel_loop3A_177 : i32 to index
      %parallel_loop3A_179 = arith.index_cast %parallel_loop3A_176 : i32 to index
      %parallel_loop3A_180 = tpu.vector_load %arg9[%parallel_loop3A_178, %parallel_loop3A_179] {strides = array<i32>} : memref<32x512xf32, #tpu.memory_space<vmem>>, vector<16xf32>,
      tpu.vector_store %arg9[%parallel_loop3A_178, %parallel_loop3A_179], %parallel_loop3A_174 {strides = array<i32>} : memref<32x512xf32, #tpu.memory_space<vmem>>, vector<16xf32>,
      %parallel_loop3A_181 = arith.constant 15 : i32
      %parallel_loop3A_182 = arith.constant 0 : i32
      %parallel_loop3A_183 = tpu.memref_slice %arg8[%parallel_loop3A_181, %parallel_loop3A_182] : memref<32x7xf32, #tpu.memory_space<vmem>> -> memref<1x7xf32, #tpu.memory_space<vmem>>
      %parallel_loop3A_184 = tpu.memref_squeeze %parallel_loop3A_183 : memref<1x7xf32, #tpu.memory_space<vmem>> -> memref<7xf32, #tpu.memory_space<vmem>>
      %parallel_loop3A_185 = tpu.vector_load_idx %parallel_loop3A_184[%parallel_loop3A_15] : memref<7xf32, #tpu.memory_space<vmem>>[vector<16xi32>], vector<16xf32>,
      %parallel_loop3A_186 = arith.constant 16 : i32
      %parallel_loop3A_187 = arith.muli %parallel_loop3A_11, %parallel_loop3A_186 : i32
      %parallel_loop3A_188 = arith.constant 15 : i32
      %parallel_loop3A_189 = arith.index_cast %parallel_loop3A_188 : i32 to index
      %parallel_loop3A_190 = arith.index_cast %parallel_loop3A_187 : i32 to index
      %parallel_loop3A_191 = tpu.vector_load %arg9[%parallel_loop3A_189, %parallel_loop3A_190] {strides = array<i32>} : memref<32x512xf32, #tpu.memory_space<vmem>>, vector<16xf32>,
      tpu.vector_store %arg9[%parallel_loop3A_189, %parallel_loop3A_190], %parallel_loop3A_185 {strides = array<i32>} : memref<32x512xf32, #tpu.memory_space<vmem>>, vector<16xf32>,
      %parallel_loop3A_192 = arith.constant 16 : i32
      %parallel_loop3A_193 = arith.constant 0 : i32
      %parallel_loop3A_194 = tpu.memref_slice %arg8[%parallel_loop3A_192, %parallel_loop3A_193] : memref<32x7xf32, #tpu.memory_space<vmem>> -> memref<1x7xf32, #tpu.memory_space<vmem>>
      %parallel_loop3A_195 = tpu.memref_squeeze %parallel_loop3A_194 : memref<1x7xf32, #tpu.memory_space<vmem>> -> memref<7xf32, #tpu.memory_space<vmem>>
      %parallel_loop3A_196 = tpu.vector_load_idx %parallel_loop3A_195[%parallel_loop3A_15] : memref<7xf32, #tpu.memory_space<vmem>>[vector<16xi32>], vector<16xf32>,
      %parallel_loop3A_197 = arith.constant 16 : i32
      %parallel_loop3A_198 = arith.muli %parallel_loop3A_11, %parallel_loop3A_197 : i32
      %parallel_loop3A_199 = arith.constant 16 : i32
      %parallel_loop3A_200 = arith.index_cast %parallel_loop3A_199 : i32 to index
      %parallel_loop3A_201 = arith.index_cast %parallel_loop3A_198 : i32 to index
      %parallel_loop3A_202 = tpu.vector_load %arg9[%parallel_loop3A_200, %parallel_loop3A_201] {strides = array<i32>} : memref<32x512xf32, #tpu.memory_space<vmem>>, vector<16xf32>,
      tpu.vector_store %arg9[%parallel_loop3A_200, %parallel_loop3A_201], %parallel_loop3A_196 {strides = array<i32>} : memref<32x512xf32, #tpu.memory_space<vmem>>, vector<16xf32>,
      %parallel_loop3A_203 = arith.constant 17 : i32
      %parallel_loop3A_204 = arith.constant 0 : i32
      %parallel_loop3A_205 = tpu.memref_slice %arg8[%parallel_loop3A_203, %parallel_loop3A_204] : memref<32x7xf32, #tpu.memory_space<vmem>> -> memref<1x7xf32, #tpu.memory_space<vmem>>
      %parallel_loop3A_206 = tpu.memref_squeeze %parallel_loop3A_205 : memref<1x7xf32, #tpu.memory_space<vmem>> -> memref<7xf32, #tpu.memory_space<vmem>>
      %parallel_loop3A_207 = tpu.vector_load_idx %parallel_loop3A_206[%parallel_loop3A_15] : memref<7xf32, #tpu.memory_space<vmem>>[vector<16xi32>], vector<16xf32>,
      %parallel_loop3A_208 = arith.constant 16 : i32
      %parallel_loop3A_209 = arith.muli %parallel_loop3A_11, %parallel_loop3A_208 : i32
      %parallel_loop3A_210 = arith.constant 17 : i32
      %parallel_loop3A_211 = arith.index_cast %parallel_loop3A_210 : i32 to index
      %parallel_loop3A_212 = arith.index_cast %parallel_loop3A_209 : i32 to index
      %parallel_loop3A_213 = tpu.vector_load %arg9[%parallel_loop3A_211, %parallel_loop3A_212] {strides = array<i32>} : memref<32x512xf32, #tpu.memory_space<vmem>>, vector<16xf32>,
      tpu.vector_store %arg9[%parallel_loop3A_211, %parallel_loop3A_212], %parallel_loop3A_207 {strides = array<i32>} : memref<32x512xf32, #tpu.memory_space<vmem>>, vector<16xf32>,
      %parallel_loop3A_214 = arith.constant 18 : i32
      %parallel_loop3A_215 = arith.constant 0 : i32
      %parallel_loop3A_216 = tpu.memref_slice %arg8[%parallel_loop3A_214, %parallel_loop3A_215] : memref<32x7xf32, #tpu.memory_space<vmem>> -> memref<1x7xf32, #tpu.memory_space<vmem>>
      %parallel_loop3A_217 = tpu.memref_squeeze %parallel_loop3A_216 : memref<1x7xf32, #tpu.memory_space<vmem>> -> memref<7xf32, #tpu.memory_space<vmem>>
      %parallel_loop3A_218 = tpu.vector_load_idx %parallel_loop3A_217[%parallel_loop3A_15] : memref<7xf32, #tpu.memory_space<vmem>>[vector<16xi32>], vector<16xf32>,
      %parallel_loop3A_219 = arith.constant 16 : i32
      %parallel_loop3A_220 = arith.muli %parallel_loop3A_11, %parallel_loop3A_219 : i32
      %parallel_loop3A_221 = arith.constant 18 : i32
      %parallel_loop3A_222 = arith.index_cast %parallel_loop3A_221 : i32 to index
      %parallel_loop3A_223 = arith.index_cast %parallel_loop3A_220 : i32 to index
      %parallel_loop3A_224 = tpu.vector_load %arg9[%parallel_loop3A_222, %parallel_loop3A_223] {strides = array<i32>} : memref<32x512xf32, #tpu.memory_space<vmem>>, vector<16xf32>,
      tpu.vector_store %arg9[%parallel_loop3A_222, %parallel_loop3A_223], %parallel_loop3A_218 {strides = array<i32>} : memref<32x512xf32, #tpu.memory_space<vmem>>, vector<16xf32>,
      %parallel_loop3A_225 = arith.constant 19 : i32
      %parallel_loop3A_226 = arith.constant 0 : i32
      %parallel_loop3A_227 = tpu.memref_slice %arg8[%parallel_loop3A_225, %parallel_loop3A_226] : memref<32x7xf32, #tpu.memory_space<vmem>> -> memref<1x7xf32, #tpu.memory_space<vmem>>
      %parallel_loop3A_228 = tpu.memref_squeeze %parallel_loop3A_227 : memref<1x7xf32, #tpu.memory_space<vmem>> -> memref<7xf32, #tpu.memory_space<vmem>>
      %parallel_loop3A_229 = tpu.vector_load_idx %parallel_loop3A_228[%parallel_loop3A_15] : memref<7xf32, #tpu.memory_space<vmem>>[vector<16xi32>], vector<16xf32>,
      %parallel_loop3A_230 = arith.constant 16 : i32
      %parallel_loop3A_231 = arith.muli %parallel_loop3A_11, %parallel_loop3A_230 : i32
      %parallel_loop3A_232 = arith.constant 19 : i32
      %parallel_loop3A_233 = arith.index_cast %parallel_loop3A_232 : i32 to index
      %parallel_loop3A_234 = arith.index_cast %parallel_loop3A_231 : i32 to index
      %parallel_loop3A_235 = tpu.vector_load %arg9[%parallel_loop3A_233, %parallel_loop3A_234] {strides = array<i32>} : memref<32x512xf32, #tpu.memory_space<vmem>>, vector<16xf32>,
      tpu.vector_store %arg9[%parallel_loop3A_233, %parallel_loop3A_234], %parallel_loop3A_229 {strides = array<i32>} : memref<32x512xf32, #tpu.memory_space<vmem>>, vector<16xf32>,
      %parallel_loop3A_236 = arith.constant 20 : i32
      %parallel_loop3A_237 = arith.constant 0 : i32
      %parallel_loop3A_238 = tpu.memref_slice %arg8[%parallel_loop3A_236, %parallel_loop3A_237] : memref<32x7xf32, #tpu.memory_space<vmem>> -> memref<1x7xf32, #tpu.memory_space<vmem>>
      %parallel_loop3A_239 = tpu.memref_squeeze %parallel_loop3A_238 : memref<1x7xf32, #tpu.memory_space<vmem>> -> memref<7xf32, #tpu.memory_space<vmem>>
      %parallel_loop3A_240 = tpu.vector_load_idx %parallel_loop3A_239[%parallel_loop3A_15] : memref<7xf32, #tpu.memory_space<vmem>>[vector<16xi32>], vector<16xf32>,
      %parallel_loop3A_241 = arith.constant 16 : i32
      %parallel_loop3A_242 = arith.muli %parallel_loop3A_11, %parallel_loop3A_241 : i32
      %parallel_loop3A_243 = arith.constant 20 : i32
      %parallel_loop3A_244 = arith.index_cast %parallel_loop3A_243 : i32 to index
      %parallel_loop3A_245 = arith.index_cast %parallel_loop3A_242 : i32 to index
      %parallel_loop3A_246 = tpu.vector_load %arg9[%parallel_loop3A_244, %parallel_loop3A_245] {strides = array<i32>} : memref<32x512xf32, #tpu.memory_space<vmem>>, vector<16xf32>,
      tpu.vector_store %arg9[%parallel_loop3A_244, %parallel_loop3A_245], %parallel_loop3A_240 {strides = array<i32>} : memref<32x512xf32, #tpu.memory_space<vmem>>, vector<16xf32>,
      %parallel_loop3A_247 = arith.constant 21 : i32
      %parallel_loop3A_248 = arith.constant 0 : i32
      %parallel_loop3A_249 = tpu.memref_slice %arg8[%parallel_loop3A_247, %parallel_loop3A_248] : memref<32x7xf32, #tpu.memory_space<vmem>> -> memref<1x7xf32, #tpu.memory_space<vmem>>
      %parallel_loop3A_250 = tpu.memref_squeeze %parallel_loop3A_249 : memref<1x7xf32, #tpu.memory_space<vmem>> -> memref<7xf32, #tpu.memory_space<vmem>>
      %parallel_loop3A_251 = tpu.vector_load_idx %parallel_loop3A_250[%parallel_loop3A_15] : memref<7xf32, #tpu.memory_space<vmem>>[vector<16xi32>], vector<16xf32>,
      %parallel_loop3A_252 = arith.constant 16 : i32
      %parallel_loop3A_253 = arith.muli %parallel_loop3A_11, %parallel_loop3A_252 : i32
      %parallel_loop3A_254 = arith.constant 21 : i32
      %parallel_loop3A_255 = arith.index_cast %parallel_loop3A_254 : i32 to index
      %parallel_loop3A_256 = arith.index_cast %parallel_loop3A_253 : i32 to index
      %parallel_loop3A_257 = tpu.vector_load %arg9[%parallel_loop3A_255, %parallel_loop3A_256] {strides = array<i32>} : memref<32x512xf32, #tpu.memory_space<vmem>>, vector<16xf32>,
      tpu.vector_store %arg9[%parallel_loop3A_255, %parallel_loop3A_256], %parallel_loop3A_251 {strides = array<i32>} : memref<32x512xf32, #tpu.memory_space<vmem>>, vector<16xf32>,
      %parallel_loop3A_258 = arith.constant 22 : i32
      %parallel_loop3A_259 = arith.constant 0 : i32
      %parallel_loop3A_260 = tpu.memref_slice %arg8[%parallel_loop3A_258, %parallel_loop3A_259] : memref<32x7xf32, #tpu.memory_space<vmem>> -> memref<1x7xf32, #tpu.memory_space<vmem>>
      %parallel_loop3A_261 = tpu.memref_squeeze %parallel_loop3A_260 : memref<1x7xf32, #tpu.memory_space<vmem>> -> memref<7xf32, #tpu.memory_space<vmem>>
      %parallel_loop3A_262 = tpu.vector_load_idx %parallel_loop3A_261[%parallel_loop3A_15] : memref<7xf32, #tpu.memory_space<vmem>>[vector<16xi32>], vector<16xf32>,
      %parallel_loop3A_263 = arith.constant 16 : i32
      %parallel_loop3A_264 = arith.muli %parallel_loop3A_11, %parallel_loop3A_263 : i32
      %parallel_loop3A_265 = arith.constant 22 : i32
      %parallel_loop3A_266 = arith.index_cast %parallel_loop3A_265 : i32 to index
      %parallel_loop3A_267 = arith.index_cast %parallel_loop3A_264 : i32 to index
      %parallel_loop3A_268 = tpu.vector_load %arg9[%parallel_loop3A_266, %parallel_loop3A_267] {strides = array<i32>} : memref<32x512xf32, #tpu.memory_space<vmem>>, vector<16xf32>,
      tpu.vector_store %arg9[%parallel_loop3A_266, %parallel_loop3A_267], %parallel_loop3A_262 {strides = array<i32>} : memref<32x512xf32, #tpu.memory_space<vmem>>, vector<16xf32>,
      %parallel_loop3A_269 = arith.constant 23 : i32
      %parallel_loop3A_270 = arith.constant 0 : i32
      %parallel_loop3A_271 = tpu.memref_slice %arg8[%parallel_loop3A_269, %parallel_loop3A_270] : memref<32x7xf32, #tpu.memory_space<vmem>> -> memref<1x7xf32, #tpu.memory_space<vmem>>
      %parallel_loop3A_272 = tpu.memref_squeeze %parallel_loop3A_271 : memref<1x7xf32, #tpu.memory_space<vmem>> -> memref<7xf32, #tpu.memory_space<vmem>>
      %parallel_loop3A_273 = tpu.vector_load_idx %parallel_loop3A_272[%parallel_loop3A_15] : memref<7xf32, #tpu.memory_space<vmem>>[vector<16xi32>], vector<16xf32>,
      %parallel_loop3A_274 = arith.constant 16 : i32
      %parallel_loop3A_275 = arith.muli %parallel_loop3A_11, %parallel_loop3A_274 : i32
      %parallel_loop3A_276 = arith.constant 23 : i32
      %parallel_loop3A_277 = arith.index_cast %parallel_loop3A_276 : i32 to index
      %parallel_loop3A_278 = arith.index_cast %parallel_loop3A_275 : i32 to index
      %parallel_loop3A_279 = tpu.vector_load %arg9[%parallel_loop3A_277, %parallel_loop3A_278] {strides = array<i32>} : memref<32x512xf32, #tpu.memory_space<vmem>>, vector<16xf32>,
      tpu.vector_store %arg9[%parallel_loop3A_277, %parallel_loop3A_278], %parallel_loop3A_273 {strides = array<i32>} : memref<32x512xf32, #tpu.memory_space<vmem>>, vector<16xf32>,
      %parallel_loop3A_280 = arith.constant 24 : i32
      %parallel_loop3A_281 = arith.constant 0 : i32
      %parallel_loop3A_282 = tpu.memref_slice %arg8[%parallel_loop3A_280, %parallel_loop3A_281] : memref<32x7xf32, #tpu.memory_space<vmem>> -> memref<1x7xf32, #tpu.memory_space<vmem>>
      %parallel_loop3A_283 = tpu.memref_squeeze %parallel_loop3A_282 : memref<1x7xf32, #tpu.memory_space<vmem>> -> memref<7xf32, #tpu.memory_space<vmem>>
      %parallel_loop3A_284 = tpu.vector_load_idx %parallel_loop3A_283[%parallel_loop3A_15] : memref<7xf32, #tpu.memory_space<vmem>>[vector<16xi32>], vector<16xf32>,
      %parallel_loop3A_285 = arith.constant 16 : i32
      %parallel_loop3A_286 = arith.muli %parallel_loop3A_11, %parallel_loop3A_285 : i32
      %parallel_loop3A_287 = arith.constant 24 : i32
      %parallel_loop3A_288 = arith.index_cast %parallel_loop3A_287 : i32 to index
      %parallel_loop3A_289 = arith.index_cast %parallel_loop3A_286 : i32 to index
      %parallel_loop3A_290 = tpu.vector_load %arg9[%parallel_loop3A_288, %parallel_loop3A_289] {strides = array<i32>} : memref<32x512xf32, #tpu.memory_space<vmem>>, vector<16xf32>,
      tpu.vector_store %arg9[%parallel_loop3A_288, %parallel_loop3A_289], %parallel_loop3A_284 {strides = array<i32>} : memref<32x512xf32, #tpu.memory_space<vmem>>, vector<16xf32>,
      %parallel_loop3A_291 = arith.constant 25 : i32
      %parallel_loop3A_292 = arith.constant 0 : i32
      %parallel_loop3A_293 = tpu.memref_slice %arg8[%parallel_loop3A_291, %parallel_loop3A_292] : memref<32x7xf32, #tpu.memory_space<vmem>> -> memref<1x7xf32, #tpu.memory_space<vmem>>
      %parallel_loop3A_294 = tpu.memref_squeeze %parallel_loop3A_293 : memref<1x7xf32, #tpu.memory_space<vmem>> -> memref<7xf32, #tpu.memory_space<vmem>>
      %parallel_loop3A_295 = tpu.vector_load_idx %parallel_loop3A_294[%parallel_loop3A_15] : memref<7xf32, #tpu.memory_space<vmem>>[vector<16xi32>], vector<16xf32>,
      %parallel_loop3A_296 = arith.constant 16 : i32
      %parallel_loop3A_297 = arith.muli %parallel_loop3A_11, %parallel_loop3A_296 : i32
      %parallel_loop3A_298 = arith.constant 25 : i32
      %parallel_loop3A_299 = arith.index_cast %parallel_loop3A_298 : i32 to index
      %parallel_loop3A_300 = arith.index_cast %parallel_loop3A_297 : i32 to index
      %parallel_loop3A_301 = tpu.vector_load %arg9[%parallel_loop3A_299, %parallel_loop3A_300] {strides = array<i32>} : memref<32x512xf32, #tpu.memory_space<vmem>>, vector<16xf32>,
      tpu.vector_store %arg9[%parallel_loop3A_299, %parallel_loop3A_300], %parallel_loop3A_295 {strides = array<i32>} : memref<32x512xf32, #tpu.memory_space<vmem>>, vector<16xf32>,
      %parallel_loop3A_302 = arith.constant 26 : i32
      %parallel_loop3A_303 = arith.constant 0 : i32
      %parallel_loop3A_304 = tpu.memref_slice %arg8[%parallel_loop3A_302, %parallel_loop3A_303] : memref<32x7xf32, #tpu.memory_space<vmem>> -> memref<1x7xf32, #tpu.memory_space<vmem>>
      %parallel_loop3A_305 = tpu.memref_squeeze %parallel_loop3A_304 : memref<1x7xf32, #tpu.memory_space<vmem>> -> memref<7xf32, #tpu.memory_space<vmem>>
      %parallel_loop3A_306 = tpu.vector_load_idx %parallel_loop3A_305[%parallel_loop3A_15] : memref<7xf32, #tpu.memory_space<vmem>>[vector<16xi32>], vector<16xf32>,
      %parallel_loop3A_307 = arith.constant 16 : i32
      %parallel_loop3A_308 = arith.muli %parallel_loop3A_11, %parallel_loop3A_307 : i32
      %parallel_loop3A_309 = arith.constant 26 : i32
      %parallel_loop3A_310 = arith.index_cast %parallel_loop3A_309 : i32 to index
      %parallel_loop3A_311 = arith.index_cast %parallel_loop3A_308 : i32 to index
      %parallel_loop3A_312 = tpu.vector_load %arg9[%parallel_loop3A_310, %parallel_loop3A_311] {strides = array<i32>} : memref<32x512xf32, #tpu.memory_space<vmem>>, vector<16xf32>,
      tpu.vector_store %arg9[%parallel_loop3A_310, %parallel_loop3A_311], %parallel_loop3A_306 {strides = array<i32>} : memref<32x512xf32, #tpu.memory_space<vmem>>, vector<16xf32>,
      %parallel_loop3A_313 = arith.constant 27 : i32
      %parallel_loop3A_314 = arith.constant 0 : i32
      %parallel_loop3A_315 = tpu.memref_slice %arg8[%parallel_loop3A_313, %parallel_loop3A_314] : memref<32x7xf32, #tpu.memory_space<vmem>> -> memref<1x7xf32, #tpu.memory_space<vmem>>
      %parallel_loop3A_316 = tpu.memref_squeeze %parallel_loop3A_315 : memref<1x7xf32, #tpu.memory_space<vmem>> -> memref<7xf32, #tpu.memory_space<vmem>>
      %parallel_loop3A_317 = tpu.vector_load_idx %parallel_loop3A_316[%parallel_loop3A_15] : memref<7xf32, #tpu.memory_space<vmem>>[vector<16xi32>], vector<16xf32>,
      %parallel_loop3A_318 = arith.constant 16 : i32
      %parallel_loop3A_319 = arith.muli %parallel_loop3A_11, %parallel_loop3A_318 : i32
      %parallel_loop3A_320 = arith.constant 27 : i32
      %parallel_loop3A_321 = arith.index_cast %parallel_loop3A_320 : i32 to index
      %parallel_loop3A_322 = arith.index_cast %parallel_loop3A_319 : i32 to index
      %parallel_loop3A_323 = tpu.vector_load %arg9[%parallel_loop3A_321, %parallel_loop3A_322] {strides = array<i32>} : memref<32x512xf32, #tpu.memory_space<vmem>>, vector<16xf32>,
      tpu.vector_store %arg9[%parallel_loop3A_321, %parallel_loop3A_322], %parallel_loop3A_317 {strides = array<i32>} : memref<32x512xf32, #tpu.memory_space<vmem>>, vector<16xf32>,
      %parallel_loop3A_324 = arith.constant 28 : i32
      %parallel_loop3A_325 = arith.constant 0 : i32
      %parallel_loop3A_326 = tpu.memref_slice %arg8[%parallel_loop3A_324, %parallel_loop3A_325] : memref<32x7xf32, #tpu.memory_space<vmem>> -> memref<1x7xf32, #tpu.memory_space<vmem>>
      %parallel_loop3A_327 = tpu.memref_squeeze %parallel_loop3A_326 : memref<1x7xf32, #tpu.memory_space<vmem>> -> memref<7xf32, #tpu.memory_space<vmem>>
      %parallel_loop3A_328 = tpu.vector_load_idx %parallel_loop3A_327[%parallel_loop3A_15] : memref<7xf32, #tpu.memory_space<vmem>>[vector<16xi32>], vector<16xf32>,
      %parallel_loop3A_329 = arith.constant 16 : i32
      %parallel_loop3A_330 = arith.muli %parallel_loop3A_11, %parallel_loop3A_329 : i32
      %parallel_loop3A_331 = arith.constant 28 : i32
      %parallel_loop3A_332 = arith.index_cast %parallel_loop3A_331 : i32 to index
      %parallel_loop3A_333 = arith.index_cast %parallel_loop3A_330 : i32 to index
      %parallel_loop3A_334 = tpu.vector_load %arg9[%parallel_loop3A_332, %parallel_loop3A_333] {strides = array<i32>} : memref<32x512xf32, #tpu.memory_space<vmem>>, vector<16xf32>,
      tpu.vector_store %arg9[%parallel_loop3A_332, %parallel_loop3A_333], %parallel_loop3A_328 {strides = array<i32>} : memref<32x512xf32, #tpu.memory_space<vmem>>, vector<16xf32>,
      %parallel_loop3A_335 = arith.constant 29 : i32
      %parallel_loop3A_336 = arith.constant 0 : i32
      %parallel_loop3A_337 = tpu.memref_slice %arg8[%parallel_loop3A_335, %parallel_loop3A_336] : memref<32x7xf32, #tpu.memory_space<vmem>> -> memref<1x7xf32, #tpu.memory_space<vmem>>
      %parallel_loop3A_338 = tpu.memref_squeeze %parallel_loop3A_337 : memref<1x7xf32, #tpu.memory_space<vmem>> -> memref<7xf32, #tpu.memory_space<vmem>>
      %parallel_loop3A_339 = tpu.vector_load_idx %parallel_loop3A_338[%parallel_loop3A_15] : memref<7xf32, #tpu.memory_space<vmem>>[vector<16xi32>], vector<16xf32>,
      %parallel_loop3A_340 = arith.constant 16 : i32
      %parallel_loop3A_341 = arith.muli %parallel_loop3A_11, %parallel_loop3A_340 : i32
      %parallel_loop3A_342 = arith.constant 29 : i32
      %parallel_loop3A_343 = arith.index_cast %parallel_loop3A_342 : i32 to index
      %parallel_loop3A_344 = arith.index_cast %parallel_loop3A_341 : i32 to index
      %parallel_loop3A_345 = tpu.vector_load %arg9[%parallel_loop3A_343, %parallel_loop3A_344] {strides = array<i32>} : memref<32x512xf32, #tpu.memory_space<vmem>>, vector<16xf32>,
      tpu.vector_store %arg9[%parallel_loop3A_343, %parallel_loop3A_344], %parallel_loop3A_339 {strides = array<i32>} : memref<32x512xf32, #tpu.memory_space<vmem>>, vector<16xf32>,
      %parallel_loop3A_346 = arith.constant 30 : i32
      %parallel_loop3A_347 = arith.constant 0 : i32
      %parallel_loop3A_348 = tpu.memref_slice %arg8[%parallel_loop3A_346, %parallel_loop3A_347] : memref<32x7xf32, #tpu.memory_space<vmem>> -> memref<1x7xf32, #tpu.memory_space<vmem>>
      %parallel_loop3A_349 = tpu.memref_squeeze %parallel_loop3A_348 : memref<1x7xf32, #tpu.memory_space<vmem>> -> memref<7xf32, #tpu.memory_space<vmem>>
      %parallel_loop3A_350 = tpu.vector_load_idx %parallel_loop3A_349[%parallel_loop3A_15] : memref<7xf32, #tpu.memory_space<vmem>>[vector<16xi32>], vector<16xf32>,
      %parallel_loop3A_351 = arith.constant 16 : i32
      %parallel_loop3A_352 = arith.muli %parallel_loop3A_11, %parallel_loop3A_351 : i32
      %parallel_loop3A_353 = arith.constant 30 : i32
      %parallel_loop3A_354 = arith.index_cast %parallel_loop3A_353 : i32 to index
      %parallel_loop3A_355 = arith.index_cast %parallel_loop3A_352 : i32 to index
      %parallel_loop3A_356 = tpu.vector_load %arg9[%parallel_loop3A_354, %parallel_loop3A_355] {strides = array<i32>} : memref<32x512xf32, #tpu.memory_space<vmem>>, vector<16xf32>,
      tpu.vector_store %arg9[%parallel_loop3A_354, %parallel_loop3A_355], %parallel_loop3A_350 {strides = array<i32>} : memref<32x512xf32, #tpu.memory_space<vmem>>, vector<16xf32>,
      %parallel_loop3A_357 = arith.constant 31 : i32
      %parallel_loop3A_358 = arith.constant 0 : i32
      %parallel_loop3A_359 = tpu.memref_slice %arg8[%parallel_loop3A_357, %parallel_loop3A_358] : memref<32x7xf32, #tpu.memory_space<vmem>> -> memref<1x7xf32, #tpu.memory_space<vmem>>
      %parallel_loop3A_360 = tpu.memref_squeeze %parallel_loop3A_359 : memref<1x7xf32, #tpu.memory_space<vmem>> -> memref<7xf32, #tpu.memory_space<vmem>>
      %parallel_loop3A_361 = tpu.vector_load_idx %parallel_loop3A_360[%parallel_loop3A_15] : memref<7xf32, #tpu.memory_space<vmem>>[vector<16xi32>], vector<16xf32>,
      %parallel_loop3A_362 = arith.constant 16 : i32
      %parallel_loop3A_363 = arith.muli %parallel_loop3A_11, %parallel_loop3A_362 : i32
      %parallel_loop3A_364 = arith.constant 31 : i32
      %parallel_loop3A_365 = arith.index_cast %parallel_loop3A_364 : i32 to index
      %parallel_loop3A_366 = arith.index_cast %parallel_loop3A_363 : i32 to index
      %parallel_loop3A_367 = tpu.vector_load %arg9[%parallel_loop3A_365, %parallel_loop3A_366] {strides = array<i32>} : memref<32x512xf32, #tpu.memory_space<vmem>>, vector<16xf32>,
      tpu.vector_store %arg9[%parallel_loop3A_365, %parallel_loop3A_366], %parallel_loop3A_361 {strides = array<i32>} : memref<32x512xf32, #tpu.memory_space<vmem>>, vector<16xf32>,
    } {sc.loop_unroll_factor = 1 : i64, sc.parallel_access}
    "tpu.region"() ({
      %run_scoped3A = tpu.sem_alloc : memref<!tpu.dma_semaphore, #tpu.memory_space<semaphore_mem>>
      %dma_start3A_11 = arith.constant 0 : i32
      %dma_start3A_12 = tpu.memref_slice %arg5[%dma_start3A_11, %mul3A_2] : memref<32x16384xf32, #tpu.memory_space<hbm>> -> memref<32x512xf32, #tpu.memory_space<hbm>>
      %dma_start3A_13 = arith.constant 0 : i32
      %dma_start3A_14 = tpu.memref_slice %arg5[%dma_start3A_13, %mul3A_2] : memref<32x16384xf32, #tpu.memory_space<hbm>> -> memref<32x512xf32, #tpu.memory_space<hbm>>
      tpu.enqueue_dma source(%arg9 : memref<32x512xf32, #tpu.memory_space<vmem>>) target(%dma_start3A_14 : memref<32x512xf32, #tpu.memory_space<hbm>>) target_semaphore(%run_scoped3A : memref<!tpu.dma_semaphore, #tpu.memory_space<semaphore_mem>>)
      %dma_wait3A_15 = arith.constant 0 : i32
      %dma_wait3A_16 = tpu.memref_slice %arg5[%dma_wait3A_15, %mul3A_2] : memref<32x16384xf32, #tpu.memory_space<hbm>> -> memref<32x512xf32, #tpu.memory_space<hbm>>
      %dma_wait3A_17 = arith.constant 0 : i32
      %dma_wait3A_18 = tpu.memref_slice %arg5[%dma_wait3A_17, %mul3A_2] : memref<32x16384xf32, #tpu.memory_space<hbm>> -> memref<32x512xf32, #tpu.memory_space<hbm>>
      tpu.wait_dma2 semaphore(%run_scoped3A : memref<!tpu.dma_semaphore, #tpu.memory_space<semaphore_mem>>) src(%arg9 : memref<32x512xf32, #tpu.memory_space<vmem>>) dst(%dma_wait3A_18 : memref<32x512xf32, #tpu.memory_space<hbm>>)
      tpu.yield
    }) : () -> ()
    return
  }
}

</mosaic_0001>

<sc_bundles>
// kernel: kernel.3.cloned.1.call-start
scs
__scs_entry_jumppad:
0x0: {  	(pc) =	sbr.rel $0x88, $3  }
0x1: {  	(tag) =	ssettag $0x0;
	lr =	simm.s32 $0x1  }
0x2: {  	[smem:$0x3F9E] =	sst lr;
	_ =	strace $0xD0000000  }
0x3: {  	_ = 	snop  }
0x4: {  	_ = 	snop  }
0x5: {  	_ = 	snop  }
0x6: {  	_ = 	snop  }
0x7: {  	_ = 	snop  }
__scs_overlays_trampoline_lowered:
0x8: {  	[smem:$0x3FAD] =	sst s0  }
0x9: {  	[smem:$0x3FAE] =	sst s1  }
0xa: {  	[smem:$0x3FAF] =	sst s2  }
0xb: {  	[smem:$0x3FB0] =	sst s3  }
0xc: {  	[smem:$0x3FB1] =	sst s4  }
0xd: {  	[smem:$0x3FB2] =	sst s5  }
0xe: {  	[smem:$0x3FB3] =	sst s6  }
0xf: {  	[smem:$0x3FB4] =	sst s7  }
0x10: {  	[smem:$0x3FB5] =	sst s8  }
0x11: {  	[smem:$0x3FB6] =	sst s9;
	s0 =	simm.s32 @!p0 $0x0  }
0x12: {  	s1 =	sld [smem:$0x3F9C];
	s0 =	simm.s32 @p0 $0x1  }
0x13: {  	[smem:$0x3FB7] =	sst s0;
	s0 =	simm.s32 @!p1 $0x0  }
0x14: {  	s2 =	sld [smem:$0x3F9B];
	s0 =	simm.s32 @p1 $0x1  }
0x15: {  	[smem:$0x3FB8] =	sst s0;
	s0 =	simm.s32 @!p2 $0x0  }
0x16: {  	s3 =	sld [smem:$0x3FDB];
	s0 =	simm.s32 @p2 $0x1  }
0x17: {  	s4 =	simm.s32 $0x1BF5;
	[smem:$0x3FBA] =	sst s0  }
0x18: {  	s0 =	sld [smem:$0x3F9D];
	_ =	swait.ge [sflag:s4], $0x0  }
0x19: {  	s7 =	sld [smem:$0x3F9E]  }
0x1a: {  	s8 =	sadd.s32 $0xFFFFE003, lr  }
0x1b: {  	s9 =	sadd.s32 $0xFFFFFEF7, lr;
	s5 =	simm.s32 $0xFFFFFFFF;
	p2 =	slt.u32 s8, $0xFFFFF086  }
0x1c: {  	p1 =	slt.u32 s9, $0xF7A;
	s5 =	simm.s32 @!p2 $0x0  }
0x1d: {  	s5 =	simm.s32 @p1 $0x1;
	p0 =	seq.s32 s7, s2  }
0x1e: {  	s7 =	smul.u32 @!p0 $0xF7A, s2;
	p2 =	seq.s32 @!p0 s5, $0x0  }
0x1f: {  	s9 =	smul.u32 $0xF7A, s1;
	s8 =	simm.s32 @!p0 $0x1BF5;
	p2 =	por !p2, p0  }
0x20: {  	[sflag:s8] =	ssyncset.s32 @!p0 $0xFFFFF086;
	s6 =	sadd.s32 @!p0 s3, s7;
	s7 =	simm.s32 @!p0 $0x108  }
0x21: {  	s3 =	sadd.s32 s3, s9;
	s6 =	sadd.s32 @!p0 $0x88, s6;
	s7 =	simm.s32 @p2 $0x1082  }
0x22: {  	[simem:s7], [sflag:s8] =	dma.local @!p0 [hbm:s6], $0xF7A  }
0x23: {  	s9 =	sor.u32 $0xD0000000, s2;
	s6 =	simm.s32 $0x108;
	_ =	swait.ge @!p0 [sflag:s8], $0x0  }
0x24: {  	s3 =	sadd.s32 $0x88, s3;
	s6 =	simm.s32 @!p1 $0x1082;
	[sflag:s4] =	ssyncset.s32 $0xFFFFF086  }
0x25: {  	[simem:s6], [sflag:s4] =	dma.local [hbm:s3], $0xF7A  }
0x26: {  	[smem:$0x3F9E] =	sst s1;
	(tag) =	ssettag s2;
	_ =	strace s9  }
0x27: {  	s1 =	sld [smem:$0x3FAE]  }
0x28: {  	s2 =	sld [smem:$0x3FAF]  }
0x29: {  	s4 =	sld [smem:$0x3FB1]  }
0x2a: {  	p0 =	seq.s32 s5, $0x0;
	s5 =	sld [smem:$0x3FB2]  }
0x2b: {  	s6 =	sld [smem:$0x3FB3]  }
0x2c: {  	s7 =	sld [smem:$0x3FB4]  }
0x2d: {  	s3 =	simm.s32 $0x108;
	s8 =	sld [smem:$0x3FB5]  }
0x2e: {  	s3 =	simm.s32 @!p0 $0x1082;
	s9 =	sld [smem:$0x3FB6]  }
0x2f: {  	lr =	sadd.s32 s0, s3;
	s0 =	sld [smem:$0x3FAD]  }
0x30: {  	s3 =	sld [smem:$0x3FB0]  }
0x31: {  	[smem:$0x3FB9] =	sst s10  }
0x32: {  	s10 =	sld [smem:$0x3FB7];
	_ =	sdelay $0x3  }
0x33: {  	p0 =	seq.s32 s10, $0x1;
	s10 =	sld [smem:$0x3FB9];
	_ =	sdelay $0x3  }
0x34: {  	[smem:$0x3FB9] =	sst s10  }
0x35: {  	s10 =	sld [smem:$0x3FB8];
	_ =	sdelay $0x3  }
0x36: {  	p1 =	seq.s32 s10, $0x1;
	s10 =	sld [smem:$0x3FB9];
	_ =	sdelay $0x3  }
0x37: {  	[smem:$0x3FB9] =	sst s10  }
0x38: {  	s10 =	sld [smem:$0x3FBA]  }
0x39: {  	_ = 	snop;
	(pc) =	sbr.ind lr, $3  }
0x3a: {  	_ = 	snop  }
0x3b: {  	_ = 	snop  }
0x3c: {  	p2 =	seq.s32 s10, $0x1;
	s10 =	sld [smem:$0x3FB9]  }
0x3d: {  	_ =	shalt  }
0x3e: {  	_ =	shalt  }
0x3f: {  	_ =	shalt  }
0x40: {  	_ =	shalt  }
0x41: {  	_ =	shalt  }
0x42: {  	_ =	shalt  }
0x43: {  	_ =	shalt  }
0x44: {  	_ =	shalt  }
0x45: {  	_ =	shalt  }
0x46: {  	_ =	shalt  }
0x47: {  	_ =	shalt  }
0x48: {  	_ =	shalt  }
0x49: {  	_ =	shalt  }
0x4a: {  	_ =	shalt  }
0x4b: {  	_ =	shalt  }
0x4c: {  	_ =	shalt  }
0x4d: {  	_ =	shalt  }
0x4e: {  	_ =	shalt  }
0x4f: {  	_ =	shalt  }
0x50: {  	_ =	shalt  }
0x51: {  	_ =	shalt  }
0x52: {  	_ =	shalt  }
0x53: {  	_ =	shalt  }
0x54: {  	_ =	shalt  }
0x55: {  	_ =	shalt  }
0x56: {  	_ =	shalt  }
0x57: {  	_ =	shalt  }
0x58: {  	_ =	shalt  }
0x59: {  	_ =	shalt  }
0x5a: {  	_ =	shalt  }
0x5b: {  	_ =	shalt  }
0x5c: {  	_ =	shalt  }
0x5d: {  	_ =	shalt  }
0x5e: {  	_ =	shalt  }
0x5f: {  	_ =	shalt  }
0x60: {  	_ =	shalt  }
0x61: {  	_ =	shalt  }
0x62: {  	_ =	shalt  }
0x63: {  	_ =	shalt  }
0x64: {  	_ =	shalt  }
0x65: {  	_ =	shalt  }
0x66: {  	_ =	shalt  }
0x67: {  	_ =	shalt  }
0x68: {  	_ =	shalt  }
0x69: {  	_ =	shalt  }
0x6a: {  	_ =	shalt  }
0x6b: {  	_ =	shalt  }
0x6c: {  	_ =	shalt  }
0x6d: {  	_ =	shalt  }
0x6e: {  	_ =	shalt  }
0x6f: {  	_ =	shalt  }
0x70: {  	_ =	shalt  }
0x71: {  	_ =	shalt  }
0x72: {  	_ =	shalt  }
0x73: {  	_ =	shalt  }
0x74: {  	_ =	shalt  }
0x75: {  	_ =	shalt  }
0x76: {  	_ =	shalt  }
0x77: {  	_ =	shalt  }
0x78: {  	_ =	shalt  }
0x79: {  	_ =	shalt  }
0x7a: {  	_ =	shalt  }
0x7b: {  	_ =	shalt  }
0x7c: {  	_ =	shalt  }
0x7d: {  	_ =	shalt  }
0x7e: {  	_ =	shalt  }
0x7f: {  	_ =	shalt  }
0x80: {  	_ =	shalt  }
0x81: {  	_ =	shalt  }
0x82: {  	_ =	shalt  }
0x83: {  	_ =	shalt  }
0x84: {  	_ =	shalt  }
0x85: {  	_ =	shalt  }
0x86: {  	_ =	shalt  }
0x87: {  	_ =	shalt  }
.Lfunc_end0:
.L_simem_size_0:
called_computation_lowered:
.L_overlay_start_0:
0x88: {  	s2 =	sld [smem:$0x3FD9]  }
0x89: {  	s3 =	sld [smem:$0x3FFE];
	_ =	sdelay $0x1  }
0x8a: {  	s1 =	srdreg.scid  }
0x8b: {  	s0 =	sand.u32 $0x1, s1  }
0x8c: {  	s17 =	sshll.u32 s0, $0xA;
	s2 =	sadd.s32 s3, s2  }
0x8d: {  	s2 =	sadd.s32 s2, s17  }
0x8e: {  	[smem:$0x3FC5] =	sst s2  }
0x8f: {  	_ = 	snop  }
0x90: {  	s2 =	sld [smem:$0x3FC9]  }
0x91: {  	s18 =	sld [smem:$0x3FC8]  }
0x92: {  	s4 =	sld [smem:$0x3FD0];
	(tm) =	ssettm $0x1  }
0x93: {  	s5 =	sld [smem:$0x3FFB];
	_ =	sdelay $0x3  }
0x94: {  	_ =	strace s5  }
0x95: {  	s5 =	sld [smem:$0x3FFC];
	_ =	sdelay $0x3  }
0x96: {  	_ =	strace s5  }
0x97: {  	s5 =	sld [smem:$0x3FFD];
	_ =	sdelay $0x3  }
0x98: {  	_ =	strace s5  }
0x99: {  	_ =	strace $0x8FFFFFFF  }
0x9a: {  	s19 =	sld [smem:$0x3FDB];
	_ =	sdelay $0x1  }
0x9b: {  	s6 =	simm.s32 $_scs_section_size  }
0x9c: {  	s7 =	simm.s32 $_size__tile_overlayer_lowered;
	s8 =	simm.s32 $_tile_overlayer_lowered  }
0x9d: {  	s22 =	simm.s32 $0x1BFF;
	s21 =	sshll.u32 s8, $0x1;
	s5 =	sadd.s32 s6, s19  }
0x9e: {  	s9 =	simm.s32 $0x0;
	s20 =	sshll.u32 s7, $0x1;
	s7 =	sadd.s32 s21, s5  }
0x9f: {  	[timem:s9], [sflag:s22] =	dma.local [hbm:s7], s20  }
0xa0: {  	_ =	swait.ge [sflag:s22], s20  }
0xa1: {  	s6 =	ssub.s32 $0x0, s20;
	[sflag:s22] =	ssyncset.done $0x0  }
0xa2: {  	[sflag:s22] =	ssyncadd.s32 s6;
	_ =	sdelay $0x1  }
0xa3: {  	s23 =	simm.s32 $0x1B8B  }
0xa4: {  	_ =	swait.ge [sflag:s23], $0x1  }
0xa5: {  	[sflag:s23] =	ssyncset.done $0x0  }
0xa6: {  	s25 =	simm.s32 $0x1B8E;
	s24 =	sld [smem:$0x3FFE];
	[sflag:s23] =	ssyncadd.s32 $0xFFFFFFFF  }
0xa7: {  	s26 =	simm.s32 $execute0_lowered;
	[smem:$0x3FD2] =	sst s25  }
0xa8: {  	s7 =	sshll.u32 s26, $0x1;
	_ =	strace $0x80000046;
	[dreg:$0x1] =	wrdreg $0xFFFFFFFF  }
0xa9: {  	s28 =	simm.s32 $_size_execute0_lowered;
	s5 =	sadd.s32 s5, s7;
	[dreg:$0x0] =	wrdreg $0x0  }
0xaa: {  	s7 =	sshll.u32 s28, $0x1;
	[dreg:$0x2] =	wrdreg s5  }
0xab: {  	[dreg:$0x3] =	wrdreg s7  }
0xac: {  	[dreg:$0x4] =	wrdreg $0xC0  }
0xad: {  	_ =	task [dreg:s9], $0x5FFFF  }
0xae: {  	[dreg:$0x1] =	wrdreg $0xFFFFFFFF  }
0xaf: {  	[dreg:$0x0] =	wrdreg $0x60  }
0xb0: {  	[dreg:$0x2] =	wrdreg s2  }
0xb1: {  	[dreg:$0x3] =	wrdreg s18  }
0xb2: {  	[dreg:$0x4] =	wrdreg s24  }
0xb3: {  	[dreg:$0x5] =	wrdreg s4  }
0xb4: {  	[dreg:$0x6] =	wrdreg $0x9  }
0xb5: {  	_ =	task.clear_ibuf [dreg:s9], $0x7FFFF;
	_ =	strace $0x90000046  }
0xb6: {  	s29 =	simm.s32 $0x9;
	_ =	strace $0x80000048  }
0xb7: {  	_ =	swait.ge [sflag:s29], $0x1  }
0xb8: {  	[sflag:s29] =	ssyncadd.s32 $0xFFFFFFFF  }
0xb9: {  	_ =	strace $0x90000048  }
0xba: {  	_ =	sfence  }
0xbb: {  	s30 =	sld [smem:$0x0];
	_ =	sdelay $0x2  }
0xbc: {  	s31 =	sshll.u32 s1, $0xD;
	s1 =	sshrl.u32 s1, $0x2  }
0xbd: {  	s3 =	sand.u32 $0x4000, s31;
	s1 =	sadd.s32 s1, s30  }
0xbe: {  	s0 =	sor.u32 s3, s0;
	s1 =	sshll.u32 s1, $0x11  }
0xbf: {  	s0 =	sor.u32 s1, s0  }
0xc0: {  	s0 =	sadd.s32 $0x8F2B, s0  }
0xc1: {  	[sflag:s0] =	ssyncadd.remote.s32 $0x1  }
0xc2: {  	_ =	sfence.sel $0xFFFF  }
0xc3: {  	[dreg:$0x0] =	wrdreg $0xFFFFFFFF;
	(pc) =	sbr.abs _section_cstart, $3  }
0xc4: {  	[dreg:$0x1] =	wrdreg $0xFFFFFFFF  }
0xc5: {  	_ =	task.clear_ibuf [dreg:s9], $0x2FFFF;
	_ =	strace $0x9FFFFFFF  }
0xc6: {  	(tm) =	ssettm $0x7FFFFFFF  }
0xc7: {  	_ =	shalt  }
tec
execute0_lowered:
.L_overlay_start_1:
0x0: {  	(tag) =	ssettag $0x1  }
0x1: {  	s0 =	rddreg [dreg:$0x1]  }
0x2: {  	s1 =	rddreg [dreg:$0x2]  }
0x3: {  	s2 =	rddreg [dreg:$0x3];
	s4 =	simm.s32 $0x0  }
0x4: {  	[smem:$0x7FF] =	sst s4;
	s1 =	sadd.s32 $0x400, s1  }
0x5: {  	s5 =	simm.s32 $0x480;
	_ =	strace $0x80000047;
	[dreg:$0x10] =	wrdreg s1  }
0x6: {  	s17 =	simm.s32 $0x500;
	[dreg:$0x5] =	wrdreg s5  }
0x7: {  	s19 =	simm.s32 $0x580;
	[dreg:$0x6] =	wrdreg s17  }
0x8: {  	s3 =	srdreg.scid;
	s20 =	simm.s32 $0x600;
	[dreg:$0x7] =	wrdreg s19  }
0x9: {  	s6 =	stileid.u32;
	s21 =	simm.s32 $0x680;
	[dreg:$0x8] =	wrdreg s20  }
0xa: {  	s22 =	simm.s32 $0x700;
	s23 =	simm.s32 $0x780;
	[dreg:$0x9] =	wrdreg s21  }
0xb: {  	s24 =	simm.s32 $0x800;
	s25 =	simm.s32 $0x880;
	[dreg:$0xa] =	wrdreg s22  }
0xc: {  	s26 =	simm.s32 $0x900;
	s29 =	simm.s32 $0x980;
	[dreg:$0xb] =	wrdreg s23  }
0xd: {  	s31 =	simm.s32 $0x1000;
	s30 =	simm.s32 $0x1100;
	[dreg:$0xc] =	wrdreg s24  }
0xe: {  	s28 =	simm.s32 $0xE80;
	s3 =	sand.u32 $0x1, s3;
	[dreg:$0xd] =	wrdreg s25  }
0xf: {  	s18 =	sshll.u32 s6, $0xA;
	s15 =	ssub.s32 $0x2, s3;
	[dreg:$0xe] =	wrdreg s26  }
0x10: {  	s3 =	sshll.u32 s3, $0x9;
	[dreg:$0xf] =	wrdreg s29;
	s24 =	simm.s32 $0xD00  }
0x11: {  	s20 =	simm.s32 $0xB00;
	s25 =	simm.s32 $0xD80;
	s3 =	sor.u32 s3, s18  }
0x12: {  	s16 =	sshrl.u32 s15, $0x1;
	s5 =	sshrl.u32 s3, $0x3;
	s2 =	sadd.s32 s2, s3  }
0x13: {  	s1 =	ssub.s32 s15, s16;
	s0 =	sadd.s32 s0, s5;
	[dreg:$0x12] =	wrdreg s2  }
0x14: {  	s26 =	simm.s32 $0xE00;
	s1 =	smax.u32 s1, $0x1;
	[dreg:$0x11] =	wrdreg s0  }
0x15: {  	s3 =	simm.s32 $0x0;
	[dreg:$0x13] =	wrdreg s1;
	s0 =	simm.s32 $0x1180  }
.LBB2_1:
0x16: {  	[dreg:$0x14] =	wrdreg s3  }
0x17: {  	s8 =	simm.s32 $0x0;
	s1 =	rddreg [dreg:$0x11]  }
0x18: {  	[tilespmem:s8], [sflag:$0x1] =	stream.linear.gather [hbm4b:s1+s8], $0x200, $0x38;
	[tilespmem:$0x5400] =	vst v63  }
0x19: {  	s6 =	rddreg [dreg:$0x10];
	s13 =	simm.s32 $0x400;
	s7 =	simm.s32 $0x1  }
0x1a: {  	[tilespmem:s13], [sflag:$0x2] =	stream.linear.gather [hbm4b:s6+s8], $0x1000, $0x38;
	[tilespmem:$0x5400] =	vst v63  }
0x1b: {  	_ =	swait.ge [sflag:s7], $0x200  }
0x1c: {  	[sflag:s7] =	ssyncset.done $0x0  }
0x1d: {  	[sflag:s7] =	ssyncadd.s32 $0xFFFFFE00  }
0x1e: {  	s9 =	simm.s32 $0x200;
	s10 =	simm.s32 $0x2;
	s2 =	rddreg [dreg:$0x0]  }
0x1f: {  	[tilespmem:s9], [sflag:$0x3] =	stream.indirect.gather [hbm4b:s2+s9], $0x1, s8, s9, $0xb8;
	[tilespmem:$0x5400] =	vst v63  }
0x20: {  	_ =	swait.ge [sflag:s10], $0x1000  }
0x21: {  	[sflag:s10] =	ssyncset.done $0x0  }
0x22: {  	s11 =	simm.s32 $0x3;
	[sflag:s10] =	ssyncadd.s32 $0xFFFFF000  }
0x23: {  	_ =	swait.ge [sflag:s11], $0x200  }
0x24: {  	[sflag:s11] =	ssyncset.done $0x0  }
0x25: {  	[sflag:s11] =	ssyncadd.s32 $0xFFFFFE00  }
0x26: {  	v2 =	vld [tilespmem:s9+$0x0];
	_ =	sdelay $0x7  }
0x27: {  	v0 =	vld.idx.msk [tilespmem:v2+s13+$0x0], $0xffff;
	_ =	sdelay $0x2  }
0x28: {  	s12 =	sand.u32 $0x70, s8;
	s14 =	sand.u32 $0xC00, s8  }
0x29: {  	s7 =	sor.u32 s12, s14  }
0x2a: {  	s15 =	rddreg [dreg:$0x5];
	[tilespmem:s7+$0x1400] =	vst v0  }
0x2b: {  	v0 =	vld.idx.msk [tilespmem:v2+s15+$0x0], $0xffff;
	_ =	sdelay $0x4  }
0x2c: {  	s16 =	rddreg [dreg:$0x6];
	[tilespmem:s7+$0x1480] =	vst v0  }
0x2d: {  	v0 =	vld.idx.msk [tilespmem:v2+s16+$0x0], $0xffff;
	_ =	sdelay $0x4  }
0x2e: {  	s17 =	rddreg [dreg:$0x7];
	[tilespmem:s7+$0x1500] =	vst v0  }
0x2f: {  	s18 =	simm.s32 $0x210;
	v1 =	vld.idx.msk [tilespmem:v2+s17+$0x0], $0xffff  }
0x30: {  	v0 =	vld [tilespmem:s18+$0x0];
	_ =	sdelay $0x3  }
0x31: {  	s19 =	rddreg [dreg:$0x8];
	[tilespmem:s7+$0x1580] =	vst v1  }
0x32: {  	v1 =	vld.idx.msk [tilespmem:v2+s19+$0x0], $0xffff;
	_ =	sdelay $0x2  }
0x33: {  	v3 =	vld.idx.msk [tilespmem:v0+s13+$0x0], $0xffff;
	_ =	sdelay $0x1  }
0x34: {  	s3 =	simm.s32 $0x10;
	s6 =	simm.s32 $0x80;
	s21 =	rddreg [dreg:$0x9];
	[tilespmem:s7+$0x1600] =	vst v1  }
0x35: {  	s22 =	sand.u32 $0x70, s3;
	s23 =	sand.u32 $0xC00, s6;
	v1 =	vld.idx.msk [tilespmem:v2+s21+$0x0], $0xffff  }
0x36: {  	s4 =	sor.u32 s22, s23  }
0x37: {  	s5 =	rddreg [dreg:$0x5];
	[tilespmem:s4+$0x1400] =	vst v3  }
0x38: {  	v3 =	vld.idx.msk [tilespmem:v0+s5+$0x0], $0xffff;
	_ =	sdelay $0x1  }
0x39: {  	s2 =	rddreg [dreg:$0xa];
	[tilespmem:s7+$0x1680] =	vst v1  }
0x3a: {  	v1 =	vld.idx.msk [tilespmem:v2+s2+$0x0], $0xffff;
	_ =	sdelay $0x1  }
0x3b: {  	s5 =	rddreg [dreg:$0x6];
	[tilespmem:s4+$0x1480] =	vst v3  }
0x3c: {  	v3 =	vld.idx.msk [tilespmem:v0+s5+$0x0], $0xffff;
	_ =	sdelay $0x1  }
0x3d: {  	s9 =	rddreg [dreg:$0xb];
	[tilespmem:s7+$0x1700] =	vst v1  }
0x3e: {  	v4 =	vld.idx.msk [tilespmem:v2+s9+$0x0], $0xffff;
	_ =	sdelay $0x1  }
0x3f: {  	s10 =	rddreg [dreg:$0x7];
	[tilespmem:s4+$0x1500] =	vst v3  }
0x40: {  	s11 =	sor.u32 s8, s8;
	v3 =	vld.idx.msk [tilespmem:v0+s10+$0x0], $0xffff  }
0x41: {  	s14 =	simm.s32 $0x220;
	s15 =	sor.u32 $0x380, s11  }
0x42: {  	v1 =	vld [tilespmem:s14+$0x0];
	s12 =	rddreg [dreg:$0xc];
	[tilespmem:s15+$0x1400] =	vst v4  }
0x43: {  	v4 =	vld.idx.msk [tilespmem:v2+s12+$0x0], $0xffff;
	_ =	sdelay $0x1  }
0x44: {  	s16 =	rddreg [dreg:$0x8];
	[tilespmem:s4+$0x1580] =	vst v3  }
0x45: {  	v3 =	vld.idx.msk [tilespmem:v0+s16+$0x0], $0xffff;
	_ =	sdelay $0x1  }
0x46: {  	s17 =	rddreg [dreg:$0xd];
	[tilespmem:s7+$0x2400] =	vst v4  }
0x47: {  	v4 =	vld.idx.msk [tilespmem:v2+s17+$0x0], $0xffff  }
0x48: {  	v5 =	vld.idx.msk [tilespmem:v1+s13+$0x0], $0xffff  }
0x49: {  	s18 =	rddreg [dreg:$0x9];
	[tilespmem:s4+$0x1600] =	vst v3  }
0x4a: {  	s1 =	simm.s32 $0x20;
	s2 =	simm.s32 $0x100;
	v3 =	vld.idx.msk [tilespmem:v0+s18+$0x0], $0xffff  }
0x4b: {  	s21 =	sand.u32 $0x70, s1;
	s9 =	sand.u32 $0xC00, s2  }
0x4c: {  	s5 =	sor.u32 s21, s9;
	s19 =	rddreg [dreg:$0xe];
	[tilespmem:s7+$0x2480] =	vst v4  }
0x4d: {  	s10 =	rddreg [dreg:$0x5];
	[tilespmem:s5+$0x1400] =	vst v5;
	v4 =	vld.idx.msk [tilespmem:v2+s19+$0x0], $0xffff  }
0x4e: {  	v5 =	vld.idx.msk [tilespmem:v1+s10+$0x0], $0xffff  }
0x4f: {  	s22 =	rddreg [dreg:$0xa];
	[tilespmem:s4+$0x1680] =	vst v3  }
0x50: {  	v3 =	vld.idx.msk [tilespmem:v0+s22+$0x0], $0xffff;
	_ =	sdelay $0x1  }
0x51: {  	s23 =	rddreg [dreg:$0xf];
	[tilespmem:s7+$0x2500] =	vst v4  }
0x52: {  	s10 =	rddreg [dreg:$0x6];
	[tilespmem:s5+$0x1480] =	vst v5;
	v4 =	vld.idx.msk [tilespmem:v2+s23+$0x0], $0xffff  }
0x53: {  	v5 =	vld.idx.msk [tilespmem:v1+s10+$0x0], $0xffff  }
0x54: {  	s11 =	rddreg [dreg:$0xb];
	[tilespmem:s4+$0x1700] =	vst v3  }
0x55: {  	v3 =	vld.idx.msk [tilespmem:v0+s11+$0x0], $0xffff;
	_ =	sdelay $0x1  }
0x56: {  	s23 =	simm.s32 $0xA00;
	[tilespmem:s7+$0x2580] =	vst v4  }
0x57: {  	s3 =	sor.u32 s6, s3;
	s12 =	rddreg [dreg:$0x7];
	[tilespmem:s5+$0x1500] =	vst v5;
	v4 =	vld.idx.msk [tilespmem:v2+s23+$0x0], $0xffff  }
0x58: {  	s3 =	sor.u32 $0x380, s3;
	s15 =	simm.s32 $0x230;
	v5 =	vld.idx.msk [tilespmem:v1+s12+$0x0], $0xffff  }
0x59: {  	s14 =	rddreg [dreg:$0xc];
	[tilespmem:s3+$0x1400] =	vst v3;
	v3 =	vld [tilespmem:s15+$0x0]  }
0x5a: {  	v6 =	vld.idx.msk [tilespmem:v0+s14+$0x0], $0xffff;
	_ =	sdelay $0x1  }
0x5b: {  	s15 =	simm.s32 $0xA80;
	[tilespmem:s7+$0x2600] =	vst v4  }
0x5c: {  	s16 =	rddreg [dreg:$0x8];
	[tilespmem:s5+$0x1580] =	vst v5;
	v4 =	vld.idx.msk [tilespmem:v2+s15+$0x0], $0xffff  }
0x5d: {  	v5 =	vld.idx.msk [tilespmem:v1+s16+$0x0], $0xffff  }
0x5e: {  	s17 =	rddreg [dreg:$0xd];
	[tilespmem:s4+$0x2400] =	vst v6  }
0x5f: {  	v6 =	vld.idx.msk [tilespmem:v0+s17+$0x0], $0xffff;
	_ =	sdelay $0x1  }
0x60: {  	s16 =	simm.s32 $0xB00;
	v7 =	vld.idx.msk [tilespmem:v3+s13+$0x0], $0xffff;
	[tilespmem:s7+$0x2680] =	vst v4  }
0x61: {  	s18 =	rddreg [dreg:$0x9];
	[tilespmem:s5+$0x1600] =	vst v5;
	v4 =	vld.idx.msk [tilespmem:v2+s16+$0x0], $0xffff  }
0x62: {  	s8 =	simm.s32 $0x180;
	s3 =	simm.s32 $0x30;
	v5 =	vld.idx.msk [tilespmem:v1+s18+$0x0], $0xffff  }
0x63: {  	s22 =	sand.u32 $0xC00, s8;
	s21 =	sand.u32 $0x70, s3;
	s19 =	rddreg [dreg:$0xe];
	[tilespmem:s4+$0x2480] =	vst v6  }
0x64: {  	s6 =	sor.u32 s21, s22;
	v6 =	vld.idx.msk [tilespmem:v0+s19+$0x0], $0xffff  }
0x65: {  	s11 =	rddreg [dreg:$0x5];
	[tilespmem:s6+$0x1400] =	vst v7  }
0x66: {  	s18 =	simm.s32 $0xB80;
	v7 =	vld.idx.msk [tilespmem:v3+s11+$0x0], $0xffff;
	[tilespmem:s7+$0x2700] =	vst v4  }
0x67: {  	s10 =	rddreg [dreg:$0xa];
	[tilespmem:s5+$0x1680] =	vst v5;
	v4 =	vld.idx.msk [tilespmem:v2+s18+$0x0], $0xffff  }
0x68: {  	v5 =	vld.idx.msk [tilespmem:v1+s10+$0x0], $0xffff  }
0x69: {  	s11 =	rddreg [dreg:$0xf];
	[tilespmem:s4+$0x2500] =	vst v6  }
0x6a: {  	v6 =	vld.idx.msk [tilespmem:v0+s11+$0x0], $0xffff  }
0x6b: {  	s12 =	rddreg [dreg:$0x6];
	[tilespmem:s6+$0x1480] =	vst v7  }
0x6c: {  	s19 =	simm.s32 $0xC00;
	v7 =	vld.idx.msk [tilespmem:v3+s12+$0x0], $0xffff;
	[tilespmem:s7+$0x2780] =	vst v4  }
0x6d: {  	s14 =	rddreg [dreg:$0xb];
	[tilespmem:s5+$0x1700] =	vst v5;
	v4 =	vld.idx.msk [tilespmem:v2+s19+$0x0], $0xffff  }
0x6e: {  	v5 =	vld.idx.msk [tilespmem:v1+s14+$0x0], $0xffff  }
0x6f: {  	[tilespmem:s4+$0x2580] =	vst v6  }
0x70: {  	v6 =	vld.idx.msk [tilespmem:v0+s23+$0x0], $0xffff  }
0x71: {  	s1 =	sor.u32 s2, s1;
	s17 =	rddreg [dreg:$0x7];
	[tilespmem:s6+$0x1500] =	vst v7  }
0x72: {  	s29 =	simm.s32 $0xC80;
	s1 =	sor.u32 $0x380, s1;
	v8 =	vld.idx.msk [tilespmem:v3+s17+$0x0], $0xffff;
	[tilespmem:s7+$0x3400] =	vst v4  }
0x73: {  	s21 =	rddreg [dreg:$0xc];
	[tilespmem:s1+$0x1400] =	vst v5;
	v7 =	vld.idx.msk [tilespmem:v2+s29+$0x0], $0xffff  }
0x74: {  	s22 =	simm.s32 $0x240;
	v5 =	vld.idx.msk [tilespmem:v1+s21+$0x0], $0xffff  }
0x75: {  	v4 =	vld [tilespmem:s22+$0x0];
	[tilespmem:s4+$0x2600] =	vst v6  }
0x76: {  	v6 =	vld.idx.msk [tilespmem:v0+s15+$0x0], $0xffff  }
0x77: {  	s2 =	rddreg [dreg:$0x8];
	[tilespmem:s6+$0x1580] =	vst v8  }
0x78: {  	s17 =	simm.s32 $0xD00;
	v8 =	vld.idx.msk [tilespmem:v3+s2+$0x0], $0xffff;
	[tilespmem:s7+$0x3480] =	vst v7  }
0x79: {  	s9 =	rddreg [dreg:$0xd];
	[tilespmem:s5+$0x2400] =	vst v5;
	v7 =	vld.idx.msk [tilespmem:v2+s17+$0x0], $0xffff  }
0x7a: {  	v5 =	vld.idx.msk [tilespmem:v1+s9+$0x0], $0xffff  }
0x7b: {  	[tilespmem:s4+$0x2680] =	vst v6  }
0x7c: {  	v6 =	vld.idx.msk [tilespmem:v0+s16+$0x0], $0xffff  }
0x7d: {  	s10 =	rddreg [dreg:$0x9];
	v9 =	vld.idx.msk [tilespmem:v4+s13+$0x0], $0xffff;
	[tilespmem:s6+$0x1600] =	vst v8  }
0x7e: {  	s21 =	simm.s32 $0xD80;
	v8 =	vld.idx.msk [tilespmem:v3+s10+$0x0], $0xffff;
	[tilespmem:s7+$0x3500] =	vst v7  }
0x7f: {  	s14 =	simm.s32 $0x40;
	s11 =	rddreg [dreg:$0xe];
	s2 =	simm.s32 $0x200;
	[tilespmem:s5+$0x2480] =	vst v5;
	v7 =	vld.idx.msk [tilespmem:v2+s21+$0x0], $0xffff  }
0x80: {  	s22 =	sand.u32 $0x70, s14;
	s1 =	sand.u32 $0xC00, s2;
	v5 =	vld.idx.msk [tilespmem:v1+s11+$0x0], $0xffff  }
0x81: {  	s9 =	sor.u32 s22, s1;
	[tilespmem:s4+$0x2700] =	vst v6  }
0x82: {  	s12 =	rddreg [dreg:$0x5];
	[tilespmem:s9+$0x1400] =	vst v9;
	v6 =	vld.idx.msk [tilespmem:v0+s18+$0x0], $0xffff  }
0x83: {  	s14 =	rddreg [dreg:$0xa];
	v9 =	vld.idx.msk [tilespmem:v4+s12+$0x0], $0xffff;
	[tilespmem:s6+$0x1680] =	vst v8  }
0x84: {  	s22 =	simm.s32 $0xE00;
	v8 =	vld.idx.msk [tilespmem:v3+s14+$0x0], $0xffff;
	[tilespmem:s7+$0x3580] =	vst v7  }
0x85: {  	s1 =	rddreg [dreg:$0xf];
	[tilespmem:s5+$0x2500] =	vst v5;
	v7 =	vld.idx.msk [tilespmem:v2+s22+$0x0], $0xffff  }
0x86: {  	v5 =	vld.idx.msk [tilespmem:v1+s1+$0x0], $0xffff  }
0x87: {  	[tilespmem:s4+$0x2780] =	vst v6  }
0x88: {  	s12 =	rddreg [dreg:$0x6];
	[tilespmem:s9+$0x1480] =	vst v9;
	v6 =	vld.idx.msk [tilespmem:v0+s19+$0x0], $0xffff  }
0x89: {  	s14 =	rddreg [dreg:$0xb];
	v10 =	vld.idx.msk [tilespmem:v4+s12+$0x0], $0xffff;
	[tilespmem:s6+$0x1700] =	vst v8  }
0x8a: {  	s1 =	simm.s32 $0xE80;
	v8 =	vld.idx.msk [tilespmem:v3+s14+$0x0], $0xffff;
	[tilespmem:s7+$0x3600] =	vst v7  }
0x8b: {  	[tilespmem:s5+$0x2580] =	vst v5;
	v7 =	vld.idx.msk [tilespmem:v2+s1+$0x0], $0xffff  }
0x8c: {  	s12 =	simm.s32 $0x250;
	v5 =	vld.idx.msk [tilespmem:v1+s23+$0x0], $0xffff  }
0x8d: {  	s3 =	sor.u32 s8, s3;
	v9 =	vld [tilespmem:s12+$0x0];
	[tilespmem:s4+$0x3400] =	vst v6  }
0x8e: {  	s3 =	sor.u32 $0x380, s3;
	s14 =	rddreg [dreg:$0x7];
	[tilespmem:s9+$0x1500] =	vst v10;
	v6 =	vld.idx.msk [tilespmem:v0+s29+$0x0], $0xffff  }
0x8f: {  	s12 =	rddreg [dreg:$0xc];
	v11 =	vld.idx.msk [tilespmem:v4+s14+$0x0], $0xffff;
	[tilespmem:s3+$0x1400] =	vst v8  }
0x90: {  	s14 =	simm.s32 $0xF00;
	v8 =	vld.idx.msk [tilespmem:v3+s12+$0x0], $0xffff;
	[tilespmem:s7+$0x3680] =	vst v7  }
0x91: {  	[tilespmem:s5+$0x2600] =	vst v5;
	v7 =	vld.idx.msk [tilespmem:v2+s14+$0x0], $0xffff  }
0x92: {  	s10 =	simm.s32 $0x260;
	v5 =	vld.idx.msk [tilespmem:v1+s15+$0x0], $0xffff  }
0x93: {  	v10 =	vld [tilespmem:s10+$0x0];
	[tilespmem:s4+$0x3480] =	vst v6  }
0x94: {  	s11 =	rddreg [dreg:$0x8];
	[tilespmem:s9+$0x1580] =	vst v11;
	v6 =	vld.idx.msk [tilespmem:v0+s17+$0x0], $0xffff  }
0x95: {  	s12 =	rddreg [dreg:$0xd];
	v11 =	vld.idx.msk [tilespmem:v4+s11+$0x0], $0xffff;
	[tilespmem:s6+$0x2400] =	vst v8  }
0x96: {  	s10 =	simm.s32 $0xF80;
	v8 =	vld.idx.msk [tilespmem:v3+s12+$0x0], $0xffff;
	[tilespmem:s7+$0x3700] =	vst v7  }
0x97: {  	[tilespmem:s5+$0x2680] =	vst v5;
	v7 =	vld.idx.msk [tilespmem:v2+s10+$0x0], $0xffff  }
0x98: {  	v5 =	vld.idx.msk [tilespmem:v1+s16+$0x0], $0xffff  }
0x99: {  	v12 =	vld.idx.msk [tilespmem:v9+s13+$0x0], $0xffff;
	[tilespmem:s4+$0x3500] =	vst v6  }
0x9a: {  	s11 =	rddreg [dreg:$0x9];
	[tilespmem:s9+$0x1600] =	vst v11;
	v6 =	vld.idx.msk [tilespmem:v0+s21+$0x0], $0xffff  }
0x9b: {  	s3 =	simm.s32 $0x50;
	s12 =	rddreg [dreg:$0xe];
	v11 =	vld.idx.msk [tilespmem:v4+s11+$0x0], $0xffff;
	s11 =	simm.s32 $0x280;
	[tilespmem:s6+$0x2480] =	vst v8  }
0x9c: {  	s16 =	sand.u32 $0x70, s3;
	s21 =	sand.u32 $0xC00, s11;
	v8 =	vld.idx.msk [tilespmem:v3+s12+$0x0], $0xffff;
	[tilespmem:s7+$0x3780] =	vst v7  }
0x9d: {  	[tilespmem:s5+$0x2700] =	vst v5;
	s10 =	sor.u32 s16, s21;
	v7 =	vld.idx.msk [tilespmem:v2+s31+$0x0], $0xffff  }
0x9e: {  	s13 =	rddreg [dreg:$0x5];
	v5 =	vld.idx.msk [tilespmem:v1+s18+$0x0], $0xffff;
	[tilespmem:s10+$0x1400] =	vst v12  }
0x9f: {  	v12 =	vld.idx.msk [tilespmem:v9+s13+$0x0], $0xffff;
	[tilespmem:s4+$0x3580] =	vst v6  }
0xa0: {  	s16 =	rddreg [dreg:$0xa];
	[tilespmem:s9+$0x1680] =	vst v11;
	v6 =	vld.idx.msk [tilespmem:v0+s22+$0x0], $0xffff  }
0xa1: {  	s18 =	rddreg [dreg:$0xf];
	v11 =	vld.idx.msk [tilespmem:v4+s16+$0x0], $0xffff;
	[tilespmem:s6+$0x2500] =	vst v8  }
0xa2: {  	s13 =	simm.s32 $0x1080;
	v8 =	vld.idx.msk [tilespmem:v3+s18+$0x0], $0xffff;
	[tilespmem:s7+$0x4400] =	vst v7  }
0xa3: {  	[tilespmem:s5+$0x2780] =	vst v5;
	v7 =	vld.idx.msk [tilespmem:v2+s13+$0x0], $0xffff  }
0xa4: {  	s16 =	rddreg [dreg:$0x6];
	v5 =	vld.idx.msk [tilespmem:v1+s19+$0x0], $0xffff;
	[tilespmem:s10+$0x1480] =	vst v12  }
0xa5: {  	v12 =	vld.idx.msk [tilespmem:v9+s16+$0x0], $0xffff;
	[tilespmem:s4+$0x3600] =	vst v6  }
0xa6: {  	s18 =	rddreg [dreg:$0xb];
	[tilespmem:s9+$0x1700] =	vst v11;
	v6 =	vld.idx.msk [tilespmem:v0+s1+$0x0], $0xffff  }
0xa7: {  	v11 =	vld.idx.msk [tilespmem:v4+s18+$0x0], $0xffff;
	[tilespmem:s6+$0x2580] =	vst v8  }
0xa8: {  	v8 =	vld.idx.msk [tilespmem:v3+s23+$0x0], $0xffff;
	[tilespmem:s7+$0x4480] =	vst v7  }
0xa9: {  	s16 =	simm.s32 $0x40;
	[tilespmem:s5+$0x3400] =	vst v5;
	v7 =	vld.idx.msk [tilespmem:v2+s30+$0x0], $0xffff  }
0xaa: {  	s13 =	rddreg [dreg:$0x7];
	s1 =	sor.u32 s2, s16;
	v15 =	vld.idx.msk [tilespmem:v1+s29+$0x0], $0xffff;
	[tilespmem:s10+$0x1500] =	vst v12  }
0xab: {  	s8 =	simm.s32 $0x270;
	s1 =	sor.u32 $0x380, s1;
	v20 =	vld.idx.msk [tilespmem:v9+s13+$0x0], $0xffff;
	[tilespmem:s4+$0x3680] =	vst v6  }
0xac: {  	s17 =	simm.s32 $0x400;
	s12 =	simm.s32 $0x70;
	s19 =	rddreg [dreg:$0xc];
	[tilespmem:s1+$0x1400] =	vst v11;
	v13 =	vld.idx.msk [tilespmem:v0+s14+$0x0], $0xffff  }
0xad: {  	s21 =	simm.s32 $0xB80;
	s22 =	simm.s32 $0xC00;
	s18 =	simm.s32 $0xA00;
	v19 =	vld.idx.msk [tilespmem:v4+s19+$0x0], $0xffff;
	[tilespmem:s6+$0x2600] =	vst v8  }
0xae: {  	v14 =	vmov v9;
	v17 =	vmov v10;
	s29 =	simm.s32 $0xF00;
	s2 =	simm.s32 $0x60;
	s23 =	simm.s32 $0xC80;
	v18 =	vld.idx.msk [tilespmem:v3+s15+$0x0], $0xffff;
	[tilespmem:s7+$0x4500] =	vst v7;
	v7 =	vmov v9  }
0xaf: {  	v5 =	vmovc v10;
	v12 =	vmovc v3;
	v6 =	vmov v4;
	s1 =	simm.s32 $0x280;
	v11 =	vmov v1;
	s14 =	rddreg [dreg:$0x8];
	s19 =	simm.s32 $0xA80;
	v8 =	vmov v3;
	v16 =	vld.idx.msk [tilespmem:v2+s0+$0x0], $0xffff  }
.LBB2_2:
0xb0: {  	v21 =	vmovc v3;
	v3 =	vmov v4;
	v4 =	vmov v9;
	v9 =	vmov v10;
	v10 =	vld [tilespmem:s8+$0x0];
	[tilespmem:s5+$0x3480] =	vst v15  }
0xb1: {  	[tilespmem:s10+$0x1580] =	vst v20  }
0xb2: {  	s13 =	smov.u32 s7;
	s7 =	smov.u32 s4;
	v15 =	vld.idx.msk [tilespmem:v1+s24+$0x0], $0xffff  }
0xb3: {  	s4 =	smov.u32 s5;
	s5 =	smov.u32 s6;
	s6 =	smov.u32 s9;
	v20 =	vld.idx.msk [tilespmem:v7+s14+$0x0], $0xffff;
	[tilespmem:s7+$0x3700] =	vst v13  }
0xb4: {  	s14 =	simm.s32 $0xF80;
	[tilespmem:s6+$0x2400] =	vst v19  }
0xb5: {  	s15 =	rddreg [dreg:$0xd];
	v13 =	vld.idx.msk [tilespmem:v0+s14+$0x0], $0xffff  }
0xb6: {  	v19 =	vld.idx.msk [tilespmem:v6+s15+$0x0], $0xffff;
	[tilespmem:s13+$0x4580] =	vst v16  }
0xb7: {  	s15 =	simm.s32 $0x1200;
	[tilespmem:s5+$0x2680] =	vst v18  }
0xb8: {  	v16 =	vld.idx.msk [tilespmem:v2+s15+$0x0], $0xffff  }
0xb9: {  	v18 =	vld.idx.msk [tilespmem:v8+s20+$0x0], $0xffff  }
0xba: {  	s9 =	smov.u32 s10;
	v22 =	vld.idx.msk [tilespmem:v5+s17+$0x0], $0xffff;
	[tilespmem:s4+$0x3500] =	vst v15  }
0xbb: {  	[tilespmem:s9+$0x1600] =	vst v20  }
0xbc: {  	s16 =	rddreg [dreg:$0x9];
	v15 =	vld.idx.msk [tilespmem:v1+s25+$0x0], $0xffff  }
0xbd: {  	v20 =	vld.idx.msk [tilespmem:v7+s16+$0x0], $0xffff;
	[tilespmem:s7+$0x3780] =	vst v13  }
0xbe: {  	[tilespmem:s6+$0x2480] =	vst v19  }
0xbf: {  	s11 =	sadd.s32 $0x80, s11;
	s14 =	rddreg [dreg:$0xe];
	v13 =	vld.idx.msk [tilespmem:v0+s31+$0x0], $0xffff  }
0xc0: {  	s10 =	sand.u32 $0x70, s2;
	s15 =	sand.u32 $0xC00, s11;
	v19 =	vld.idx.msk [tilespmem:v6+s14+$0x0], $0xffff;
	[tilespmem:s13+$0x4600] =	vst v16  }
0xc1: {  	s10 =	sor.u32 s10, s15;
	s15 =	simm.s32 $0x1280;
	[tilespmem:s5+$0x2700] =	vst v18  }
0xc2: {  	v16 =	vld.idx.msk [tilespmem:v2+s15+$0x0], $0xffff;
	[tilespmem:s10+$0x1400] =	vst v22  }
0xc3: {  	s16 =	rddreg [dreg:$0x5];
	v18 =	vld.idx.msk [tilespmem:v8+s21+$0x0], $0xffff  }
0xc4: {  	v22 =	vld.idx.msk [tilespmem:v5+s16+$0x0], $0xffff;
	[tilespmem:s4+$0x3580] =	vst v15  }
0xc5: {  	[tilespmem:s9+$0x1680] =	vst v20  }
0xc6: {  	s14 =	rddreg [dreg:$0xa];
	v15 =	vld.idx.msk [tilespmem:v1+s26+$0x0], $0xffff  }
0xc7: {  	v20 =	vld.idx.msk [tilespmem:v7+s14+$0x0], $0xffff;
	[tilespmem:s7+$0x4400] =	vst v13  }
0xc8: {  	s16 =	simm.s32 $0x1080;
	[tilespmem:s6+$0x2500] =	vst v19  }
0xc9: {  	s15 =	rddreg [dreg:$0xf];
	v13 =	vld.idx.msk [tilespmem:v0+s16+$0x0], $0xffff  }
0xca: {  	v19 =	vld.idx.msk [tilespmem:v6+s15+$0x0], $0xffff;
	[tilespmem:s13+$0x4680] =	vst v16  }
0xcb: {  	s16 =	simm.s32 $0x1300;
	[tilespmem:s5+$0x2780] =	vst v18  }
0xcc: {  	v16 =	vld.idx.msk [tilespmem:v2+s16+$0x0], $0xffff;
	[tilespmem:s10+$0x1480] =	vst v22  }
0xcd: {  	s14 =	rddreg [dreg:$0x6];
	v18 =	vld.idx.msk [tilespmem:v8+s22+$0x0], $0xffff  }
0xce: {  	v22 =	vld.idx.msk [tilespmem:v5+s14+$0x0], $0xffff;
	[tilespmem:s4+$0x3600] =	vst v15  }
0xcf: {  	[tilespmem:s9+$0x1700] =	vst v20  }
0xd0: {  	s16 =	rddreg [dreg:$0xb];
	v23 =	vld.idx.msk [tilespmem:v1+s28+$0x0], $0xffff  }
0xd1: {  	v24 =	vld.idx.msk [tilespmem:v7+s16+$0x0], $0xffff;
	[tilespmem:s7+$0x4480] =	vst v13  }
0xd2: {  	[tilespmem:s6+$0x2580] =	vst v19  }
0xd3: {  	v25 =	vld.idx.msk [tilespmem:v0+s30+$0x0], $0xffff  }
0xd4: {  	v26 =	vld.idx.msk [tilespmem:v6+s18+$0x0], $0xffff;
	[tilespmem:s13+$0x4700] =	vst v16  }
0xd5: {  	s16 =	simm.s32 $0x1380;
	[tilespmem:s5+$0x3400] =	vst v18  }
0xd6: {  	v27 =	vld.idx.msk [tilespmem:v2+s16+$0x0], $0xffff;
	[tilespmem:s10+$0x1500] =	vst v22  }
0xd7: {  	s3 =	sor.u32 s1, s3;
	s14 =	rddreg [dreg:$0x7];
	v15 =	vld.idx.msk [tilespmem:v12+s23+$0x0], $0xffff  }
0xd8: {  	v2 =	vmov v0;
	s16 =	sor.u32 $0x380, s3;
	v20 =	vld.idx.msk [tilespmem:v17+s14+$0x0], $0xffff;
	[tilespmem:s4+$0x3680] =	vst v23  }
0xd9: {  	p0 =	sne.s32 s12, $0x1F0;
	v0 =	vmov v1;
	v1 =	vmov v8;
	v8 =	vmov v6;
	[tilespmem:s16+$0x1400] =	vst v24  }
.Ltmp0:
0xda: {  	s15 =	rddreg [dreg:$0xc];
	v13 =	vld.idx.msk [tilespmem:v11+s29+$0x0], $0xffff;
	(pc) =	sbr.rel @p0 .LBB2_2-.Ltmp0, $4  }
0xdb: {  	v19 =	vld.idx.msk [tilespmem:v14+s15+$0x0], $0xffff;
	[tilespmem:s7+$0x4500] =	vst v25  }
0xdc: {  	[tilespmem:s6+$0x2600] =	vst v26  }
0xdd: {  	s8 =	sadd.s32 $0x10, s8;
	s1 =	smov.u32 s11;
	v6 =	vmov v7;
	v7 =	vmov v5;
	s3 =	smov.u32 s2;
	v16 =	vld.idx.msk [tilespmem:v2+s0+$0x0], $0xffff  }
0xde: {  	v5 =	vmovc v10;
	s2 =	smov.u32 s12;
	s12 =	sadd.s32 $0x10, s12;
	v12 =	vmovc v3;
	v17 =	vmov v10;
	s14 =	rddreg [dreg:$0x8];
	v11 =	vmov v21;
	v14 =	vmov v9;
	v18 =	vld.idx.msk [tilespmem:v8+s19+$0x0], $0xffff;
	[tilespmem:s13+$0x4780] =	vst v27  }
0xdf: {  	_ =	sdelay $0x3  }
0xe0: {  	v21 =	vld.idx.msk [tilespmem:v5+s17+$0x0], $0xffff;
	_ =	sdelay $0x1  }
0xe1: {  	s8 =	sadd.s32 $0x80, s11  }
0xe2: {  	s29 =	sand.u32 $0x70, s2;
	s12 =	sand.u32 $0xC00, s8  }
0xe3: {  	s11 =	sor.u32 s29, s12  }
0xe4: {  	s13 =	rddreg [dreg:$0x5];
	[tilespmem:s11+$0x1400] =	vst v21  }
0xe5: {  	v21 =	vld.idx.msk [tilespmem:v5+s13+$0x0], $0xffff;
	_ =	sdelay $0x4  }
0xe6: {  	s0 =	rddreg [dreg:$0x6];
	[tilespmem:s11+$0x1480] =	vst v21  }
0xe7: {  	v21 =	vld.idx.msk [tilespmem:v5+s0+$0x0], $0xffff;
	_ =	sdelay $0x4  }
0xe8: {  	s13 =	rddreg [dreg:$0x7];
	[tilespmem:s11+$0x1500] =	vst v21  }
0xe9: {  	v17 =	vld.idx.msk [tilespmem:v17+s13+$0x0], $0xffff;
	_ =	sdelay $0x1  }
0xea: {  	[tilespmem:s10+$0x1580] =	vst v20  }
0xeb: {  	v20 =	vld.idx.msk [tilespmem:v7+s14+$0x0], $0xffff;
	_ =	sdelay $0x1  }
0xec: {  	s15 =	rddreg [dreg:$0x8];
	[tilespmem:s11+$0x1580] =	vst v17  }
0xed: {  	v17 =	vld.idx.msk [tilespmem:v5+s15+$0x0], $0xffff;
	_ =	sdelay $0x1  }
0xee: {  	s16 =	rddreg [dreg:$0x9];
	[tilespmem:s10+$0x1600] =	vst v20  }
0xef: {  	v20 =	vld.idx.msk [tilespmem:v7+s16+$0x0], $0xffff;
	_ =	sdelay $0x1  }
0xf0: {  	s17 =	rddreg [dreg:$0x9];
	[tilespmem:s11+$0x1600] =	vst v17  }
0xf1: {  	v17 =	vld.idx.msk [tilespmem:v5+s17+$0x0], $0xffff;
	_ =	sdelay $0x1  }
0xf2: {  	s18 =	rddreg [dreg:$0xa];
	[tilespmem:s10+$0x1680] =	vst v20  }
0xf3: {  	v20 =	vld.idx.msk [tilespmem:v7+s18+$0x0], $0xffff;
	_ =	sdelay $0x1  }
0xf4: {  	s19 =	rddreg [dreg:$0xa];
	[tilespmem:s11+$0x1680] =	vst v17  }
0xf5: {  	v17 =	vld.idx.msk [tilespmem:v5+s19+$0x0], $0xffff;
	_ =	sdelay $0x1  }
0xf6: {  	s21 =	rddreg [dreg:$0xb];
	[tilespmem:s10+$0x1700] =	vst v20  }
0xf7: {  	v20 =	vld.idx.msk [tilespmem:v7+s21+$0x0], $0xffff;
	_ =	sdelay $0x1  }
0xf8: {  	s22 =	rddreg [dreg:$0xb];
	[tilespmem:s11+$0x1700] =	vst v17  }
0xf9: {  	s1 =	sor.u32 s1, s3;
	v17 =	vld.idx.msk [tilespmem:v5+s22+$0x0], $0xffff  }
0xfa: {  	s1 =	sor.u32 $0x380, s1  }
0xfb: {  	s23 =	rddreg [dreg:$0xc];
	[tilespmem:s1+$0x1400] =	vst v20  }
0xfc: {  	s29 =	sor.u32 s8, s2;
	v14 =	vld.idx.msk [tilespmem:v14+s23+$0x0], $0xffff  }
0xfd: {  	s12 =	sor.u32 $0x380, s29  }
0xfe: {  	s0 =	rddreg [dreg:$0xc];
	[tilespmem:s12+$0x1400] =	vst v17  }
0xff: {  	v17 =	vld.idx.msk [tilespmem:v10+s0+$0x0], $0xffff  }
0x100: {  	s13 =	rddreg [dreg:$0xd];
	[tilespmem:s9+$0x2400] =	vst v19  }
0x101: {  	v19 =	vld.idx.msk [tilespmem:v6+s13+$0x0], $0xffff;
	s14 =	rddreg [dreg:$0xd];
	[tilespmem:s10+$0x2400] =	vst v14  }
0x102: {  	v14 =	vld.idx.msk [tilespmem:v7+s14+$0x0], $0xffff;
	_ =	sdelay $0x1  }
0x103: {  	s15 =	rddreg [dreg:$0xd];
	[tilespmem:s11+$0x2400] =	vst v17  }
0x104: {  	v17 =	vld.idx.msk [tilespmem:v5+s15+$0x0], $0xffff  }
0x105: {  	s16 =	rddreg [dreg:$0xe];
	[tilespmem:s9+$0x2480] =	vst v19  }
0x106: {  	v19 =	vld.idx.msk [tilespmem:v6+s16+$0x0], $0xffff;
	s17 =	rddreg [dreg:$0xe];
	[tilespmem:s10+$0x2480] =	vst v14  }
0x107: {  	v14 =	vld.idx.msk [tilespmem:v7+s17+$0x0], $0xffff;
	_ =	sdelay $0x1  }
0x108: {  	s18 =	rddreg [dreg:$0xe];
	[tilespmem:s11+$0x2480] =	vst v17  }
0x109: {  	v17 =	vld.idx.msk [tilespmem:v5+s18+$0x0], $0xffff  }
0x10a: {  	s19 =	rddreg [dreg:$0xf];
	[tilespmem:s9+$0x2500] =	vst v19  }
0x10b: {  	s21 =	rddreg [dreg:$0xf];
	v19 =	vld.idx.msk [tilespmem:v6+s19+$0x0], $0xffff;
	[tilespmem:s10+$0x2500] =	vst v14  }
0x10c: {  	v14 =	vld.idx.msk [tilespmem:v7+s21+$0x0], $0xffff;
	_ =	sdelay $0x1  }
0x10d: {  	s22 =	rddreg [dreg:$0xf];
	[tilespmem:s11+$0x2500] =	vst v17  }
0x10e: {  	v17 =	vld.idx.msk [tilespmem:v5+s22+$0x0], $0xffff  }
0x10f: {  	s23 =	simm.s32 $0xA00;
	[tilespmem:s9+$0x2580] =	vst v19  }
0x110: {  	v19 =	vld.idx.msk [tilespmem:v6+s23+$0x0], $0xffff;
	[tilespmem:s10+$0x2580] =	vst v14  }
0x111: {  	v14 =	vld.idx.msk [tilespmem:v7+s23+$0x0], $0xffff;
	_ =	sdelay $0x1  }
0x112: {  	[tilespmem:s11+$0x2580] =	vst v17  }
0x113: {  	v17 =	vld.idx.msk [tilespmem:v5+s23+$0x0], $0xffff  }
0x114: {  	s29 =	simm.s32 $0xA80;
	[tilespmem:s9+$0x2600] =	vst v19  }
0x115: {  	v19 =	vld.idx.msk [tilespmem:v6+s29+$0x0], $0xffff;
	[tilespmem:s10+$0x2600] =	vst v14  }
0x116: {  	v14 =	vld.idx.msk [tilespmem:v7+s29+$0x0], $0xffff;
	_ =	sdelay $0x1  }
0x117: {  	[tilespmem:s11+$0x2600] =	vst v17  }
0x118: {  	[tilespmem:s6+$0x2680] =	vst v18;
	s0 =	simm.s32 $0xB00;
	v17 =	vld.idx.msk [tilespmem:v5+s29+$0x0], $0xffff  }
0x119: {  	v18 =	vld.idx.msk [tilespmem:v8+s0+$0x0], $0xffff;
	[tilespmem:s9+$0x2680] =	vst v19  }
0x11a: {  	v19 =	vld.idx.msk [tilespmem:v6+s0+$0x0], $0xffff;
	[tilespmem:s10+$0x2680] =	vst v14  }
0x11b: {  	v14 =	vld.idx.msk [tilespmem:v7+s0+$0x0], $0xffff;
	_ =	sdelay $0x1  }
0x11c: {  	[tilespmem:s11+$0x2680] =	vst v17  }
0x11d: {  	s2 =	simm.s32 $0xB80;
	[tilespmem:s6+$0x2700] =	vst v18;
	v17 =	vld.idx.msk [tilespmem:v5+s0+$0x0], $0xffff  }
0x11e: {  	v18 =	vld.idx.msk [tilespmem:v8+s2+$0x0], $0xffff;
	[tilespmem:s9+$0x2700] =	vst v19  }
0x11f: {  	v19 =	vld.idx.msk [tilespmem:v6+s2+$0x0], $0xffff;
	[tilespmem:s10+$0x2700] =	vst v14  }
0x120: {  	v14 =	vld.idx.msk [tilespmem:v7+s2+$0x0], $0xffff;
	_ =	sdelay $0x1  }
0x121: {  	[tilespmem:s11+$0x2700] =	vst v17  }
0x122: {  	s3 =	simm.s32 $0xC00;
	[tilespmem:s6+$0x2780] =	vst v18;
	v17 =	vld.idx.msk [tilespmem:v5+s2+$0x0], $0xffff  }
0x123: {  	v18 =	vld.idx.msk [tilespmem:v8+s3+$0x0], $0xffff;
	[tilespmem:s9+$0x2780] =	vst v19  }
0x124: {  	v19 =	vld.idx.msk [tilespmem:v6+s3+$0x0], $0xffff;
	[tilespmem:s10+$0x2780] =	vst v14  }
0x125: {  	v14 =	vld.idx.msk [tilespmem:v7+s3+$0x0], $0xffff;
	_ =	sdelay $0x1  }
0x126: {  	[tilespmem:s11+$0x2780] =	vst v17  }
0x127: {  	s8 =	simm.s32 $0xC80;
	[tilespmem:s6+$0x3400] =	vst v18;
	v17 =	vld.idx.msk [tilespmem:v5+s3+$0x0], $0xffff  }
0x128: {  	v12 =	vld.idx.msk [tilespmem:v12+s8+$0x0], $0xffff;
	[tilespmem:s9+$0x3400] =	vst v19  }
0x129: {  	v47 =	vld.idx.msk [tilespmem:v4+s8+$0x0], $0xffff;
	[tilespmem:s10+$0x3400] =	vst v14  }
0x12a: {  	v14 =	vld.idx.msk [tilespmem:v9+s8+$0x0], $0xffff;
	_ =	sdelay $0x1  }
0x12b: {  	[tilespmem:s11+$0x3400] =	vst v17  }
0x12c: {  	s18 =	simm.s32 $0xD00;
	[tilespmem:s6+$0x3480] =	vst v12;
	v48 =	vld.idx.msk [tilespmem:v10+s8+$0x0], $0xffff  }
0x12d: {  	v12 =	vld.idx.msk [tilespmem:v8+s18+$0x0], $0xffff;
	[tilespmem:s9+$0x3480] =	vst v47  }
0x12e: {  	v18 =	vld.idx.msk [tilespmem:v6+s18+$0x0], $0xffff;
	[tilespmem:s10+$0x3480] =	vst v14  }
0x12f: {  	[tilespmem:s5+$0x3480] =	vst v15;
	v14 =	vld.idx.msk [tilespmem:v7+s18+$0x0], $0xffff  }
0x130: {  	[tilespmem:s7+$0x4580] =	vst v16;
	s12 =	simm.s32 $0x1200;
	v50 =	vld.idx.msk [tilespmem:v1+s18+$0x0], $0xffff  }
0x131: {  	v49 =	vld.idx.msk [tilespmem:v2+s12+$0x0], $0xffff;
	[tilespmem:s11+$0x3480] =	vst v48  }
0x132: {  	s21 =	simm.s32 $0xD80;
	[tilespmem:s6+$0x3500] =	vst v12;
	v51 =	vld.idx.msk [tilespmem:v5+s18+$0x0], $0xffff  }
0x133: {  	v12 =	vld.idx.msk [tilespmem:v8+s21+$0x0], $0xffff;
	[tilespmem:s9+$0x3500] =	vst v18  }
0x134: {  	v18 =	vld.idx.msk [tilespmem:v6+s21+$0x0], $0xffff;
	[tilespmem:s10+$0x3500] =	vst v14  }
0x135: {  	[tilespmem:s5+$0x3500] =	vst v50;
	v14 =	vld.idx.msk [tilespmem:v7+s21+$0x0], $0xffff  }
0x136: {  	s19 =	simm.s32 $0x1280;
	[tilespmem:s7+$0x4600] =	vst v49;
	v17 =	vld.idx.msk [tilespmem:v1+s21+$0x0], $0xffff  }
0x137: {  	v52 =	vld.idx.msk [tilespmem:v2+s19+$0x0], $0xffff;
	[tilespmem:s11+$0x3500] =	vst v51  }
0x138: {  	s23 =	simm.s32 $0xE00;
	[tilespmem:s6+$0x3580] =	vst v12;
	v15 =	vld.idx.msk [tilespmem:v5+s21+$0x0], $0xffff  }
0x139: {  	v12 =	vld.idx.msk [tilespmem:v8+s23+$0x0], $0xffff;
	[tilespmem:s9+$0x3580] =	vst v18  }
0x13a: {  	v18 =	vld.idx.msk [tilespmem:v6+s23+$0x0], $0xffff;
	[tilespmem:s10+$0x3580] =	vst v14  }
0x13b: {  	v14 =	vld.idx.msk [tilespmem:v7+s23+$0x0], $0xffff;
	[tilespmem:s5+$0x3580] =	vst v17  }
0x13c: {  	[tilespmem:s7+$0x4680] =	vst v52;
	s22 =	simm.s32 $0x1300;
	v17 =	vld.idx.msk [tilespmem:v1+s23+$0x0], $0xffff  }
0x13d: {  	v16 =	vld.idx.msk [tilespmem:v2+s22+$0x0], $0xffff;
	[tilespmem:s11+$0x3580] =	vst v15  }
0x13e: {  	s0 =	simm.s32 $0xE80;
	[tilespmem:s6+$0x3600] =	vst v12;
	v15 =	vld.idx.msk [tilespmem:v5+s23+$0x0], $0xffff  }
0x13f: {  	v12 =	vld.idx.msk [tilespmem:v8+s0+$0x0], $0xffff;
	[tilespmem:s9+$0x3600] =	vst v18  }
0x140: {  	v55 =	vld.idx.msk [tilespmem:v6+s0+$0x0], $0xffff;
	[tilespmem:s10+$0x3600] =	vst v14  }
0x141: {  	v14 =	vld.idx.msk [tilespmem:v7+s0+$0x0], $0xffff;
	[tilespmem:s5+$0x3600] =	vst v17  }
0x142: {  	[tilespmem:s7+$0x4700] =	vst v16;
	s29 =	simm.s32 $0x1380;
	v54 =	vld.idx.msk [tilespmem:v1+s0+$0x0], $0xffff  }
0x143: {  	v53 =	vld.idx.msk [tilespmem:v2+s29+$0x0], $0xffff;
	[tilespmem:s11+$0x3600] =	vst v15  }
0x144: {  	s2 =	simm.s32 $0xF00;
	[tilespmem:s6+$0x3680] =	vst v12;
	v56 =	vld.idx.msk [tilespmem:v5+s0+$0x0], $0xffff  }
0x145: {  	v3 =	vld.idx.msk [tilespmem:v3+s2+$0x0], $0xffff;
	[tilespmem:s9+$0x3680] =	vst v55  }
0x146: {  	v57 =	vld.idx.msk [tilespmem:v4+s2+$0x0], $0xffff;
	[tilespmem:s10+$0x3680] =	vst v14  }
0x147: {  	v58 =	vld.idx.msk [tilespmem:v9+s2+$0x0], $0xffff;
	[tilespmem:s5+$0x3680] =	vst v54  }
0x148: {  	[tilespmem:s7+$0x4780] =	vst v53;
	v11 =	vld.idx.msk [tilespmem:v11+s2+$0x0], $0xffff  }
0x149: {  	[tilespmem:s11+$0x3680] =	vst v56  }
0x14a: {  	s7 =	simm.s32 $0xF80;
	[tilespmem:s6+$0x3700] =	vst v3;
	v2 =	vld.idx.msk [tilespmem:v10+s2+$0x0], $0xffff  }
0x14b: {  	v3 =	vld.idx.msk [tilespmem:v8+s7+$0x0], $0xffff;
	[tilespmem:s9+$0x3700] =	vst v57  }
0x14c: {  	v4 =	vld.idx.msk [tilespmem:v6+s7+$0x0], $0xffff;
	[tilespmem:s10+$0x3700] =	vst v58  }
0x14d: {  	v9 =	vld.idx.msk [tilespmem:v7+s7+$0x0], $0xffff;
	[tilespmem:s5+$0x3700] =	vst v11  }
0x14e: {  	[tilespmem:s4+$0x3700] =	vst v13;
	v11 =	vld.idx.msk [tilespmem:v1+s7+$0x0], $0xffff  }
0x14f: {  	v59 =	vld.idx.msk [tilespmem:v0+s7+$0x0], $0xffff;
	[tilespmem:s11+$0x3700] =	vst v2  }
0x150: {  	s14 =	simm.s32 $0x1000;
	[tilespmem:s6+$0x3780] =	vst v3;
	v2 =	vld.idx.msk [tilespmem:v5+s7+$0x0], $0xffff  }
0x151: {  	v3 =	vld.idx.msk [tilespmem:v8+s14+$0x0], $0xffff;
	[tilespmem:s9+$0x3780] =	vst v4  }
0x152: {  	v4 =	vld.idx.msk [tilespmem:v6+s14+$0x0], $0xffff;
	[tilespmem:s10+$0x3780] =	vst v9  }
0x153: {  	v9 =	vld.idx.msk [tilespmem:v7+s14+$0x0], $0xffff;
	[tilespmem:s5+$0x3780] =	vst v11  }
0x154: {  	[tilespmem:s4+$0x3780] =	vst v59;
	v11 =	vld.idx.msk [tilespmem:v1+s14+$0x0], $0xffff  }
0x155: {  	v10 =	vld.idx.msk [tilespmem:v0+s14+$0x0], $0xffff;
	[tilespmem:s11+$0x3780] =	vst v2  }
0x156: {  	s15 =	simm.s32 $0x1080;
	[tilespmem:s6+$0x4400] =	vst v3;
	v2 =	vld.idx.msk [tilespmem:v5+s14+$0x0], $0xffff  }
0x157: {  	v3 =	vld.idx.msk [tilespmem:v8+s15+$0x0], $0xffff;
	[tilespmem:s9+$0x4400] =	vst v4  }
0x158: {  	v4 =	vld.idx.msk [tilespmem:v6+s15+$0x0], $0xffff;
	[tilespmem:s10+$0x4400] =	vst v9  }
0x159: {  	v9 =	vld.idx.msk [tilespmem:v7+s15+$0x0], $0xffff;
	[tilespmem:s5+$0x4400] =	vst v11  }
0x15a: {  	[tilespmem:s4+$0x4400] =	vst v10;
	v11 =	vld.idx.msk [tilespmem:v1+s15+$0x0], $0xffff  }
0x15b: {  	v10 =	vld.idx.msk [tilespmem:v0+s15+$0x0], $0xffff;
	[tilespmem:s11+$0x4400] =	vst v2  }
0x15c: {  	s16 =	simm.s32 $0x1100;
	[tilespmem:s6+$0x4480] =	vst v3;
	v2 =	vld.idx.msk [tilespmem:v5+s15+$0x0], $0xffff  }
0x15d: {  	v3 =	vld.idx.msk [tilespmem:v8+s16+$0x0], $0xffff;
	[tilespmem:s9+$0x4480] =	vst v4  }
0x15e: {  	v4 =	vld.idx.msk [tilespmem:v6+s16+$0x0], $0xffff;
	[tilespmem:s10+$0x4480] =	vst v9  }
0x15f: {  	v9 =	vld.idx.msk [tilespmem:v7+s16+$0x0], $0xffff;
	[tilespmem:s5+$0x4480] =	vst v11  }
0x160: {  	[tilespmem:s4+$0x4480] =	vst v10;
	v11 =	vld.idx.msk [tilespmem:v1+s16+$0x0], $0xffff  }
0x161: {  	v10 =	vld.idx.msk [tilespmem:v0+s16+$0x0], $0xffff;
	[tilespmem:s11+$0x4480] =	vst v2  }
0x162: {  	s17 =	simm.s32 $0x1180;
	[tilespmem:s6+$0x4500] =	vst v3;
	v2 =	vld.idx.msk [tilespmem:v5+s16+$0x0], $0xffff  }
0x163: {  	v3 =	vld.idx.msk [tilespmem:v8+s17+$0x0], $0xffff;
	[tilespmem:s9+$0x4500] =	vst v4  }
0x164: {  	v4 =	vld.idx.msk [tilespmem:v6+s17+$0x0], $0xffff;
	[tilespmem:s10+$0x4500] =	vst v9  }
0x165: {  	v9 =	vld.idx.msk [tilespmem:v7+s17+$0x0], $0xffff;
	[tilespmem:s5+$0x4500] =	vst v11  }
0x166: {  	[tilespmem:s4+$0x4500] =	vst v10;
	v11 =	vld.idx.msk [tilespmem:v1+s17+$0x0], $0xffff  }
0x167: {  	v10 =	vld.idx.msk [tilespmem:v0+s17+$0x0], $0xffff;
	[tilespmem:s11+$0x4500] =	vst v2  }
0x168: {  	[tilespmem:s6+$0x4580] =	vst v3;
	v2 =	vld.idx.msk [tilespmem:v5+s17+$0x0], $0xffff  }
0x169: {  	v3 =	vld.idx.msk [tilespmem:v8+s12+$0x0], $0xffff;
	[tilespmem:s9+$0x4580] =	vst v4  }
0x16a: {  	v4 =	vld.idx.msk [tilespmem:v6+s12+$0x0], $0xffff;
	[tilespmem:s10+$0x4580] =	vst v9  }
0x16b: {  	v9 =	vld.idx.msk [tilespmem:v7+s12+$0x0], $0xffff;
	[tilespmem:s5+$0x4580] =	vst v11  }
0x16c: {  	[tilespmem:s4+$0x4580] =	vst v10;
	v11 =	vld.idx.msk [tilespmem:v1+s12+$0x0], $0xffff  }
0x16d: {  	v10 =	vld.idx.msk [tilespmem:v0+s12+$0x0], $0xffff;
	[tilespmem:s11+$0x4580] =	vst v2  }
0x16e: {  	[tilespmem:s6+$0x4600] =	vst v3;
	v2 =	vld.idx.msk [tilespmem:v5+s12+$0x0], $0xffff  }
0x16f: {  	v3 =	vld.idx.msk [tilespmem:v8+s19+$0x0], $0xffff;
	[tilespmem:s9+$0x4600] =	vst v4  }
0x170: {  	v4 =	vld.idx.msk [tilespmem:v6+s19+$0x0], $0xffff;
	[tilespmem:s10+$0x4600] =	vst v9  }
0x171: {  	v9 =	vld.idx.msk [tilespmem:v7+s19+$0x0], $0xffff;
	[tilespmem:s5+$0x4600] =	vst v11  }
0x172: {  	[tilespmem:s4+$0x4600] =	vst v10;
	v11 =	vld.idx.msk [tilespmem:v1+s19+$0x0], $0xffff  }
0x173: {  	v10 =	vld.idx.msk [tilespmem:v0+s19+$0x0], $0xffff;
	[tilespmem:s11+$0x4600] =	vst v2  }
0x174: {  	[tilespmem:s6+$0x4680] =	vst v3;
	v2 =	vld.idx.msk [tilespmem:v5+s19+$0x0], $0xffff  }
0x175: {  	v3 =	vld.idx.msk [tilespmem:v8+s22+$0x0], $0xffff;
	[tilespmem:s9+$0x4680] =	vst v4  }
0x176: {  	v4 =	vld.idx.msk [tilespmem:v6+s22+$0x0], $0xffff;
	[tilespmem:s10+$0x4680] =	vst v9  }
0x177: {  	v9 =	vld.idx.msk [tilespmem:v7+s22+$0x0], $0xffff;
	[tilespmem:s5+$0x4680] =	vst v11  }
0x178: {  	[tilespmem:s4+$0x4680] =	vst v10;
	v11 =	vld.idx.msk [tilespmem:v1+s22+$0x0], $0xffff  }
0x179: {  	v10 =	vld.idx.msk [tilespmem:v0+s22+$0x0], $0xffff;
	[tilespmem:s11+$0x4680] =	vst v2  }
0x17a: {  	[tilespmem:s6+$0x4700] =	vst v3;
	v2 =	vld.idx.msk [tilespmem:v5+s22+$0x0], $0xffff  }
0x17b: {  	v3 =	vld.idx.msk [tilespmem:v8+s29+$0x0], $0xffff;
	[tilespmem:s9+$0x4700] =	vst v4  }
0x17c: {  	v4 =	vld.idx.msk [tilespmem:v6+s29+$0x0], $0xffff;
	[tilespmem:s10+$0x4700] =	vst v9  }
0x17d: {  	v62 =	vld.idx.msk [tilespmem:v7+s29+$0x0], $0xffff;
	[tilespmem:s5+$0x4700] =	vst v11  }
0x17e: {  	[tilespmem:s4+$0x4700] =	vst v10;
	v61 =	vld.idx.msk [tilespmem:v1+s29+$0x0], $0xffff  }
0x17f: {  	v60 =	vld.idx.msk [tilespmem:v0+s29+$0x0], $0xffff;
	[tilespmem:s11+$0x4700] =	vst v2  }
0x180: {  	[tilespmem:s6+$0x4780] =	vst v3;
	v63 =	vld.idx.msk [tilespmem:v5+s29+$0x0], $0xffff  }
0x181: {  	[tilespmem:s9+$0x4780] =	vst v4  }
0x182: {  	[tilespmem:s10+$0x4780] =	vst v62  }
0x183: {  	[tilespmem:s5+$0x4780] =	vst v61  }
0x184: {  	[tilespmem:s4+$0x4780] =	vst v60  }
0x185: {  	s21 =	simm.s32 $0x1400;
	[tilespmem:s11+$0x4780] =	vst v63  }
0x186: {  	s19 =	simm.s32 $0x20000;
	s22 =	simm.s32 $0x4;
	s18 =	rddreg [dreg:$0x12]  }
0x187: {  	[hbm4b:s18+s14] =	stream.strided.scatter [tilespmem:s21], [sflag:$0x4], $0x4000, s19, s14, $0x38;
	[tilespmem:$0x5400] =	vst v63  }
0x188: {  	_ =	swait.ge [sflag:s22], $0x4000  }
0x189: {  	s23 =	rddreg [dreg:$0x14]  }
0x18a: {  	s29 =	rddreg [dreg:$0x13];
	s3 =	sadd.s32 $0x1, s23  }
0x18b: {  	p0 =	sne.s32 s3, s29  }
.Ltmp1:
0x18c: {  	_ = 	snop;
	(pc) =	sbr.rel @p0 .LBB2_1-.Ltmp1, $3  }
0x18d: {  	_ =	sdelay $0x1  }
0x18e: {  	s30 =	simm.s32 $0x1100;
	[sflag:s22] =	ssyncset.done $0x0  }
0x18f: {  	s31 =	simm.s32 $0x1000;
	s0 =	simm.s32 $0x1180;
	[sflag:s22] =	ssyncadd.s32 $0xFFFFC000  }
0x190: {  	_ =	sfence.sel $0x180000  }
0x191: {  	[bflag:$0x0] =	sbarrier.arrive $0xFFFF  }
0x192: {  	_ =	strace $0x90000047  }
0x193: {  	s0 =	stileid.u32;
	[bflag:$0x2] =	sbarrier.arrive $0xFFFF  }
0x194: {  	p0 =	sne.s32 s0, $0x0;
	s0 =	rddreg [dreg:$0x4]  }
0x195: {  	s0 =	sadd.s32 @!p0 $0x100000, s0  }
0x196: {  	[sflag:s0] =	ssyncadd.tile.s32 @!p0 $0x1;
	_ =	shalt  }
.Lfunc_end2:
_tile_overlayer_lowered:
.L_overlay_start_2:
0x197: {  	(tag) =	ssettag $0x2  }
0x198: {  	s0 =	rddreg [dreg:$0x0];
	s2 =	stileid.u32  }
0x199: {  	s1 =	rddreg [dreg:$0x1];
	p0 =	sne.s32 s2, $0x0  }
0x19a: {  	s3 =	rddreg [dreg:$0x2];
	[bflag:$0x3] =	sbarrier.arrive $0xFFFF;
	s2 =	simm.s32 @!p0 $0x1C04  }
0x19b: {  	[timem:s3], [sflag:s2] =	dma.local @!p0 [hbm:s0], s1  }
0x19c: {  	s0 =	simm.s32 @!p0 $0x4  }
0x19d: {  	_ =	swait.ge @!p0 [sflag:s0], s1  }
0x19e: {  	s1 =	ssub.s32 @!p0 $0x0, s1;
	[sflag:s0] =	ssyncset.done @!p0 $0x0  }
0x19f: {  	[sflag:s0] =	ssyncadd.s32 @!p0 s1  }
0x1a0: {  	[bflag:$0x3] =	sbarrier.arrive $0xFFFF  }
0x1a1: {  	_ =	shalt  }

</sc_bundles>
